<compile_context>
chip_gen: v7x
topology: tpu7x:2x2x1
jax: 0.10.2.dev20260603
libtpu: 0.0.44.dev20260713+nightly
codegen_flags: <defaults>
</compile_context>

<pallas_src>
import functools

import jax
import jax.numpy as jnp
from jax import lax
from jax.experimental import pallas as pl
from jax.experimental.pallas import tpu as pltpu
from jax.experimental.pallas import tpu_sc as plsc

_NC = 2
_NS = 16
_NW = _NC * _NS


def kernel(x, table):
    B, length, _ = x.shape
    V, D = table.shape
    rows_per_w = length // _NW
    CHUNK = 32
    NBUF = 3
    n_chunks = rows_per_w // CHUNK

    mesh = plsc.VectorSubcoreMesh(core_axis_name="c", subcore_axis_name="s")

    @functools.partial(
        pl.kernel,
        out_type=jax.ShapeDtypeStruct((B, length, D), table.dtype),
        mesh=mesh,
        scratch_types=(
            [pltpu.VMEM((CHUNK, D), table.dtype) for _ in range(NBUF)]
            + [pltpu.SemaphoreType.DMA]
            + [pltpu.SemaphoreType.DMA for _ in range(NBUF)]
        ),
    )
    def sc_copy(table_hbm, out_hbm, *refs):
        bufs = refs[:NBUF]
        lsem = refs[NBUF]
        ssems = refs[NBUF + 1:]
        wid = lax.axis_index("s") * _NC + lax.axis_index("c")
        base = wid * rows_per_w

        def start_load(c):
            off = base + c * CHUNK
            return pltpu.async_copy(
                table_hbm.at[pl.ds(off, CHUNK)], bufs[c % NBUF], lsem)

        loads = {}
        stores = {}
        for c in range(min(NBUF, n_chunks)):
            loads[c] = start_load(c)
        for c in range(n_chunks):
            k = c % NBUF
            loads[c].wait()
            off = base + c * CHUNK
            stores[c] = [
                pltpu.async_copy(
                    bufs[k], out_hbm.at[b, pl.ds(off, CHUNK)], ssems[k])
                for b in range(B)
            ]
            nxt = c + 1
            if NBUF <= nxt < n_chunks:
                for h in stores[nxt - NBUF]:
                    h.wait()
                loads[nxt] = start_load(nxt)
        for c in range(max(0, n_chunks - NBUF), n_chunks):
            for h in stores[c]:
                h.wait()

    return sc_copy(table)

# --- scband reference (transcript-rebuilt; emitter-appended) ---
"""Pipeline reference for scband-positional-embedding-63934883168718 (READ-ONLY COPY).

The authoritative reference and input builder live on the scoring server;
editing this copy changes nothing except your own understanding.
"""

import jax, jax.numpy as jnp
import numpy as np

MAX_LEN = 8192
DIM = 1024
B = 4
L = 8192
H = 1024

def setup_inputs(seed: int = 0) -> dict:
    key = jax.random.key(seed)
    k1, k2 = jax.random.split(key)
    x = jax.random.normal(k1, (B, L, H), dtype=jnp.float32)
    # learned positional embedding table, nn.Embedding default init ~ N(0,1)
    table = jax.random.normal(k2, (MAX_LEN, DIM), dtype=jnp.float32)
    return {"x": x, "table": table}

def reference(x, table):
    batch, length, _hidden = x.shape
    pos = jnp.broadcast_to(jnp.arange(length)[None, :], (batch, length))
    return jnp.take(table, pos, axis=0)

if __name__ == "__main__":
    import jax
    _d = setup_inputs()
    print(jax.jit(kernel)(*tuple(_d.values())))

</pallas_src>

<mosaic_0001>
#map = affine_map<(d0, d1) -> (0, 0)>
#map1 = affine_map<(d0, d1) -> (0, 0, 0)>
module attributes {stable_mosaic.version = 14 : i64} {
  func.func @sc_copy(%arg0: i32, %arg1: i32, %arg2: memref<8192x1024xf32, #tpu.memory_space<hbm>>, %arg3: memref<4x8192x1024xf32, #tpu.memory_space<hbm>>, %arg4: memref<32x1024xf32, #tpu.memory_space<vmem>>, %arg5: memref<32x1024xf32, #tpu.memory_space<vmem>>, %arg6: memref<32x1024xf32, #tpu.memory_space<vmem>>, %arg7: memref<!tpu.dma_semaphore, #tpu.memory_space<semaphore_mem>>, %arg8: memref<!tpu.dma_semaphore, #tpu.memory_space<semaphore_mem>>, %arg9: memref<!tpu.dma_semaphore, #tpu.memory_space<semaphore_mem>>, %arg10: memref<!tpu.dma_semaphore, #tpu.memory_space<semaphore_mem>>) attributes {dimension_semantics = [#tpu.dimension_semantics<core_parallel>, #tpu.dimension_semantics<subcore_parallel>], iteration_bounds = array<i64: 2, 16>, scalar_prefetch = 0 : i64, scratch_operands = 7 : i64, tpu.core_type = #tpu.core_type<sc_vector_subcore>, window_params = [{transform_indices = #map}, {transform_indices = #map1}]} {
    %mul3A = arith.constant 2 : i32
    %mul3A_0 = arith.muli %arg1, %mul3A : i32
    %add3A = arith.addi %mul3A_0, %arg0 : i32
    %mul3A_1 = arith.constant 256 : i32
    %mul3A_2 = arith.muli %add3A, %mul3A_1 : i32
    %add3A_3 = arith.constant 0 : i32
    %add3A_4 = arith.addi %mul3A_2, %add3A_3 : i32
    %dma_start3A = arith.constant 0 : i32
    %dma_start3A_5 = tpu.memref_slice %arg2[%add3A_4, %dma_start3A] : memref<8192x1024xf32, #tpu.memory_space<hbm>> -> memref<32x1024xf32, #tpu.memory_space<hbm>>
    %dma_start3A_6 = arith.constant 0 : i32
    %dma_start3A_7 = tpu.memref_slice %arg2[%add3A_4, %dma_start3A_6] : memref<8192x1024xf32, #tpu.memory_space<hbm>> -> memref<32x1024xf32, #tpu.memory_space<hbm>>
    tpu.enqueue_dma source(%dma_start3A_7 : memref<32x1024xf32, #tpu.memory_space<hbm>>) target(%arg4 : memref<32x1024xf32, #tpu.memory_space<vmem>>) target_semaphore(%arg7 : memref<!tpu.dma_semaphore, #tpu.memory_space<semaphore_mem>>)
    %add3A_8 = arith.constant 32 : i32
    %add3A_9 = arith.addi %mul3A_2, %add3A_8 : i32
    %dma_start3A_10 = arith.constant 0 : i32
    %dma_start3A_11 = tpu.memref_slice %arg2[%add3A_9, %dma_start3A_10] : memref<8192x1024xf32, #tpu.memory_space<hbm>> -> memref<32x1024xf32, #tpu.memory_space<hbm>>
    %dma_start3A_12 = arith.constant 0 : i32
    %dma_start3A_13 = tpu.memref_slice %arg2[%add3A_9, %dma_start3A_12] : memref<8192x1024xf32, #tpu.memory_space<hbm>> -> memref<32x1024xf32, #tpu.memory_space<hbm>>
    tpu.enqueue_dma source(%dma_start3A_13 : memref<32x1024xf32, #tpu.memory_space<hbm>>) target(%arg5 : memref<32x1024xf32, #tpu.memory_space<vmem>>) target_semaphore(%arg7 : memref<!tpu.dma_semaphore, #tpu.memory_space<semaphore_mem>>)
    %add3A_14 = arith.constant 64 : i32
    %add3A_15 = arith.addi %mul3A_2, %add3A_14 : i32
    %dma_start3A_16 = arith.constant 0 : i32
    %dma_start3A_17 = tpu.memref_slice %arg2[%add3A_15, %dma_start3A_16] : memref<8192x1024xf32, #tpu.memory_space<hbm>> -> memref<32x1024xf32, #tpu.memory_space<hbm>>
    %dma_start3A_18 = arith.constant 0 : i32
    %dma_start3A_19 = tpu.memref_slice %arg2[%add3A_15, %dma_start3A_18] : memref<8192x1024xf32, #tpu.memory_space<hbm>> -> memref<32x1024xf32, #tpu.memory_space<hbm>>
    tpu.enqueue_dma source(%dma_start3A_19 : memref<32x1024xf32, #tpu.memory_space<hbm>>) target(%arg6 : memref<32x1024xf32, #tpu.memory_space<vmem>>) target_semaphore(%arg7 : memref<!tpu.dma_semaphore, #tpu.memory_space<semaphore_mem>>)
    %dma_wait3A = arith.constant 0 : i32
    %dma_wait3A_20 = tpu.memref_slice %arg2[%add3A_4, %dma_wait3A] : memref<8192x1024xf32, #tpu.memory_space<hbm>> -> memref<32x1024xf32, #tpu.memory_space<hbm>>
    %dma_wait3A_21 = arith.constant 0 : i32
    %dma_wait3A_22 = tpu.memref_slice %arg2[%add3A_4, %dma_wait3A_21] : memref<8192x1024xf32, #tpu.memory_space<hbm>> -> memref<32x1024xf32, #tpu.memory_space<hbm>>
    tpu.wait_dma2 semaphore(%arg7 : memref<!tpu.dma_semaphore, #tpu.memory_space<semaphore_mem>>) src(%dma_wait3A_22 : memref<32x1024xf32, #tpu.memory_space<hbm>>) dst(%arg4 : memref<32x1024xf32, #tpu.memory_space<vmem>>)
    %add3A_23 = arith.constant 0 : i32
    %add3A_24 = arith.addi %mul3A_2, %add3A_23 : i32
    %dma_start3A_25 = arith.constant 0 : i32
    %dma_start3A_26 = arith.constant 0 : i32
    %dma_start3A_27 = tpu.memref_slice %arg3[%dma_start3A_25, %add3A_24, %dma_start3A_26] : memref<4x8192x1024xf32, #tpu.memory_space<hbm>> -> memref<1x32x1024xf32, #tpu.memory_space<hbm>>
    %dma_start3A_28 = tpu.memref_squeeze %dma_start3A_27 : memref<1x32x1024xf32, #tpu.memory_space<hbm>> -> memref<32x1024xf32, #tpu.memory_space<hbm>>
    %dma_start3A_29 = arith.constant 0 : i32
    %dma_start3A_30 = tpu.memref_slice %arg3[%dma_start3A_25, %add3A_24, %dma_start3A_29] : memref<4x8192x1024xf32, #tpu.memory_space<hbm>> -> memref<1x32x1024xf32, #tpu.memory_space<hbm>>
    %dma_start3A_31 = tpu.memref_squeeze %dma_start3A_30 : memref<1x32x1024xf32, #tpu.memory_space<hbm>> -> memref<32x1024xf32, #tpu.memory_space<hbm>>
    tpu.enqueue_dma source(%arg4 : memref<32x1024xf32, #tpu.memory_space<vmem>>) target(%dma_start3A_31 : memref<32x1024xf32, #tpu.memory_space<hbm>>) target_semaphore(%arg8 : memref<!tpu.dma_semaphore, #tpu.memory_space<semaphore_mem>>)
    %dma_start3A_32 = arith.constant 1 : i32
    %dma_start3A_33 = arith.constant 0 : i32
    %dma_start3A_34 = tpu.memref_slice %arg3[%dma_start3A_32, %add3A_24, %dma_start3A_33] : memref<4x8192x1024xf32, #tpu.memory_space<hbm>> -> memref<1x32x1024xf32, #tpu.memory_space<hbm>>
    %dma_start3A_35 = tpu.memref_squeeze %dma_start3A_34 : memref<1x32x1024xf32, #tpu.memory_space<hbm>> -> memref<32x1024xf32, #tpu.memory_space<hbm>>
    %dma_start3A_36 = arith.constant 0 : i32
    %dma_start3A_37 = tpu.memref_slice %arg3[%dma_start3A_32, %add3A_24, %dma_start3A_36] : memref<4x8192x1024xf32, #tpu.memory_space<hbm>> -> memref<1x32x1024xf32, #tpu.memory_space<hbm>>
    %dma_start3A_38 = tpu.memref_squeeze %dma_start3A_37 : memref<1x32x1024xf32, #tpu.memory_space<hbm>> -> memref<32x1024xf32, #tpu.memory_space<hbm>>
    tpu.enqueue_dma source(%arg4 : memref<32x1024xf32, #tpu.memory_space<vmem>>) target(%dma_start3A_38 : memref<32x1024xf32, #tpu.memory_space<hbm>>) target_semaphore(%arg8 : memref<!tpu.dma_semaphore, #tpu.memory_space<semaphore_mem>>)
    %dma_start3A_39 = arith.constant 2 : i32
    %dma_start3A_40 = arith.constant 0 : i32
    %dma_start3A_41 = tpu.memref_slice %arg3[%dma_start3A_39, %add3A_24, %dma_start3A_40] : memref<4x8192x1024xf32, #tpu.memory_space<hbm>> -> memref<1x32x1024xf32, #tpu.memory_space<hbm>>
    %dma_start3A_42 = tpu.memref_squeeze %dma_start3A_41 : memref<1x32x1024xf32, #tpu.memory_space<hbm>> -> memref<32x1024xf32, #tpu.memory_space<hbm>>
    %dma_start3A_43 = arith.constant 0 : i32
    %dma_start3A_44 = tpu.memref_slice %arg3[%dma_start3A_39, %add3A_24, %dma_start3A_43] : memref<4x8192x1024xf32, #tpu.memory_space<hbm>> -> memref<1x32x1024xf32, #tpu.memory_space<hbm>>
    %dma_start3A_45 = tpu.memref_squeeze %dma_start3A_44 : memref<1x32x1024xf32, #tpu.memory_space<hbm>> -> memref<32x1024xf32, #tpu.memory_space<hbm>>
    tpu.enqueue_dma source(%arg4 : memref<32x1024xf32, #tpu.memory_space<vmem>>) target(%dma_start3A_45 : memref<32x1024xf32, #tpu.memory_space<hbm>>) target_semaphore(%arg8 : memref<!tpu.dma_semaphore, #tpu.memory_space<semaphore_mem>>)
    %dma_start3A_46 = arith.constant 3 : i32
    %dma_start3A_47 = arith.constant 0 : i32
    %dma_start3A_48 = tpu.memref_slice %arg3[%dma_start3A_46, %add3A_24, %dma_start3A_47] : memref<4x8192x1024xf32, #tpu.memory_space<hbm>> -> memref<1x32x1024xf32, #tpu.memory_space<hbm>>
    %dma_start3A_49 = tpu.memref_squeeze %dma_start3A_48 : memref<1x32x1024xf32, #tpu.memory_space<hbm>> -> memref<32x1024xf32, #tpu.memory_space<hbm>>
    %dma_start3A_50 = arith.constant 0 : i32
    %dma_start3A_51 = tpu.memref_slice %arg3[%dma_start3A_46, %add3A_24, %dma_start3A_50] : memref<4x8192x1024xf32, #tpu.memory_space<hbm>> -> memref<1x32x1024xf32, #tpu.memory_space<hbm>>
    %dma_start3A_52 = tpu.memref_squeeze %dma_start3A_51 : memref<1x32x1024xf32, #tpu.memory_space<hbm>> -> memref<32x1024xf32, #tpu.memory_space<hbm>>
    tpu.enqueue_dma source(%arg4 : memref<32x1024xf32, #tpu.memory_space<vmem>>) target(%dma_start3A_52 : memref<32x1024xf32, #tpu.memory_space<hbm>>) target_semaphore(%arg8 : memref<!tpu.dma_semaphore, #tpu.memory_space<semaphore_mem>>)
    %dma_wait3A_53 = arith.constant 0 : i32
    %dma_wait3A_54 = tpu.memref_slice %arg2[%add3A_9, %dma_wait3A_53] : memref<8192x1024xf32, #tpu.memory_space<hbm>> -> memref<32x1024xf32, #tpu.memory_space<hbm>>
    %dma_wait3A_55 = arith.constant 0 : i32
    %dma_wait3A_56 = tpu.memref_slice %arg2[%add3A_9, %dma_wait3A_55] : memref<8192x1024xf32, #tpu.memory_space<hbm>> -> memref<32x1024xf32, #tpu.memory_space<hbm>>
    tpu.wait_dma2 semaphore(%arg7 : memref<!tpu.dma_semaphore, #tpu.memory_space<semaphore_mem>>) src(%dma_wait3A_56 : memref<32x1024xf32, #tpu.memory_space<hbm>>) dst(%arg5 : memref<32x1024xf32, #tpu.memory_space<vmem>>)
    %add3A_57 = arith.constant 32 : i32
    %add3A_58 = arith.addi %mul3A_2, %add3A_57 : i32
    %dma_start3A_59 = arith.constant 0 : i32
    %dma_start3A_60 = arith.constant 0 : i32
    %dma_start3A_61 = tpu.memref_slice %arg3[%dma_start3A_59, %add3A_58, %dma_start3A_60] : memref<4x8192x1024xf32, #tpu.memory_space<hbm>> -> memref<1x32x1024xf32, #tpu.memory_space<hbm>>
    %dma_start3A_62 = tpu.memref_squeeze %dma_start3A_61 : memref<1x32x1024xf32, #tpu.memory_space<hbm>> -> memref<32x1024xf32, #tpu.memory_space<hbm>>
    %dma_start3A_63 = arith.constant 0 : i32
    %dma_start3A_64 = tpu.memref_slice %arg3[%dma_start3A_59, %add3A_58, %dma_start3A_63] : memref<4x8192x1024xf32, #tpu.memory_space<hbm>> -> memref<1x32x1024xf32, #tpu.memory_space<hbm>>
    %dma_start3A_65 = tpu.memref_squeeze %dma_start3A_64 : memref<1x32x1024xf32, #tpu.memory_space<hbm>> -> memref<32x1024xf32, #tpu.memory_space<hbm>>
    tpu.enqueue_dma source(%arg5 : memref<32x1024xf32, #tpu.memory_space<vmem>>) target(%dma_start3A_65 : memref<32x1024xf32, #tpu.memory_space<hbm>>) target_semaphore(%arg9 : memref<!tpu.dma_semaphore, #tpu.memory_space<semaphore_mem>>)
    %dma_start3A_66 = arith.constant 1 : i32
    %dma_start3A_67 = arith.constant 0 : i32
    %dma_start3A_68 = tpu.memref_slice %arg3[%dma_start3A_66, %add3A_58, %dma_start3A_67] : memref<4x8192x1024xf32, #tpu.memory_space<hbm>> -> memref<1x32x1024xf32, #tpu.memory_space<hbm>>
    %dma_start3A_69 = tpu.memref_squeeze %dma_start3A_68 : memref<1x32x1024xf32, #tpu.memory_space<hbm>> -> memref<32x1024xf32, #tpu.memory_space<hbm>>
    %dma_start3A_70 = arith.constant 0 : i32
    %dma_start3A_71 = tpu.memref_slice %arg3[%dma_start3A_66, %add3A_58, %dma_start3A_70] : memref<4x8192x1024xf32, #tpu.memory_space<hbm>> -> memref<1x32x1024xf32, #tpu.memory_space<hbm>>
    %dma_start3A_72 = tpu.memref_squeeze %dma_start3A_71 : memref<1x32x1024xf32, #tpu.memory_space<hbm>> -> memref<32x1024xf32, #tpu.memory_space<hbm>>
    tpu.enqueue_dma source(%arg5 : memref<32x1024xf32, #tpu.memory_space<vmem>>) target(%dma_start3A_72 : memref<32x1024xf32, #tpu.memory_space<hbm>>) target_semaphore(%arg9 : memref<!tpu.dma_semaphore, #tpu.memory_space<semaphore_mem>>)
    %dma_start3A_73 = arith.constant 2 : i32
    %dma_start3A_74 = arith.constant 0 : i32
    %dma_start3A_75 = tpu.memref_slice %arg3[%dma_start3A_73, %add3A_58, %dma_start3A_74] : memref<4x8192x1024xf32, #tpu.memory_space<hbm>> -> memref<1x32x1024xf32, #tpu.memory_space<hbm>>
    %dma_start3A_76 = tpu.memref_squeeze %dma_start3A_75 : memref<1x32x1024xf32, #tpu.memory_space<hbm>> -> memref<32x1024xf32, #tpu.memory_space<hbm>>
    %dma_start3A_77 = arith.constant 0 : i32
    %dma_start3A_78 = tpu.memref_slice %arg3[%dma_start3A_73, %add3A_58, %dma_start3A_77] : memref<4x8192x1024xf32, #tpu.memory_space<hbm>> -> memref<1x32x1024xf32, #tpu.memory_space<hbm>>
    %dma_start3A_79 = tpu.memref_squeeze %dma_start3A_78 : memref<1x32x1024xf32, #tpu.memory_space<hbm>> -> memref<32x1024xf32, #tpu.memory_space<hbm>>
    tpu.enqueue_dma source(%arg5 : memref<32x1024xf32, #tpu.memory_space<vmem>>) target(%dma_start3A_79 : memref<32x1024xf32, #tpu.memory_space<hbm>>) target_semaphore(%arg9 : memref<!tpu.dma_semaphore, #tpu.memory_space<semaphore_mem>>)
    %dma_start3A_80 = arith.constant 3 : i32
    %dma_start3A_81 = arith.constant 0 : i32
    %dma_start3A_82 = tpu.memref_slice %arg3[%dma_start3A_80, %add3A_58, %dma_start3A_81] : memref<4x8192x1024xf32, #tpu.memory_space<hbm>> -> memref<1x32x1024xf32, #tpu.memory_space<hbm>>
    %dma_start3A_83 = tpu.memref_squeeze %dma_start3A_82 : memref<1x32x1024xf32, #tpu.memory_space<hbm>> -> memref<32x1024xf32, #tpu.memory_space<hbm>>
    %dma_start3A_84 = arith.constant 0 : i32
    %dma_start3A_85 = tpu.memref_slice %arg3[%dma_start3A_80, %add3A_58, %dma_start3A_84] : memref<4x8192x1024xf32, #tpu.memory_space<hbm>> -> memref<1x32x1024xf32, #tpu.memory_space<hbm>>
    %dma_start3A_86 = tpu.memref_squeeze %dma_start3A_85 : memref<1x32x1024xf32, #tpu.memory_space<hbm>> -> memref<32x1024xf32, #tpu.memory_space<hbm>>
    tpu.enqueue_dma source(%arg5 : memref<32x1024xf32, #tpu.memory_space<vmem>>) target(%dma_start3A_86 : memref<32x1024xf32, #tpu.memory_space<hbm>>) target_semaphore(%arg9 : memref<!tpu.dma_semaphore, #tpu.memory_space<semaphore_mem>>)
    %dma_wait3A_87 = arith.constant 0 : i32
    %dma_wait3A_88 = tpu.memref_slice %arg2[%add3A_15, %dma_wait3A_87] : memref<8192x1024xf32, #tpu.memory_space<hbm>> -> memref<32x1024xf32, #tpu.memory_space<hbm>>
    %dma_wait3A_89 = arith.constant 0 : i32
    %dma_wait3A_90 = tpu.memref_slice %arg2[%add3A_15, %dma_wait3A_89] : memref<8192x1024xf32, #tpu.memory_space<hbm>> -> memref<32x1024xf32, #tpu.memory_space<hbm>>
    tpu.wait_dma2 semaphore(%arg7 : memref<!tpu.dma_semaphore, #tpu.memory_space<semaphore_mem>>) src(%dma_wait3A_90 : memref<32x1024xf32, #tpu.memory_space<hbm>>) dst(%arg6 : memref<32x1024xf32, #tpu.memory_space<vmem>>)
    %add3A_91 = arith.constant 64 : i32
    %add3A_92 = arith.addi %mul3A_2, %add3A_91 : i32
    %dma_start3A_93 = arith.constant 0 : i32
    %dma_start3A_94 = arith.constant 0 : i32
    %dma_start3A_95 = tpu.memref_slice %arg3[%dma_start3A_93, %add3A_92, %dma_start3A_94] : memref<4x8192x1024xf32, #tpu.memory_space<hbm>> -> memref<1x32x1024xf32, #tpu.memory_space<hbm>>
    %dma_start3A_96 = tpu.memref_squeeze %dma_start3A_95 : memref<1x32x1024xf32, #tpu.memory_space<hbm>> -> memref<32x1024xf32, #tpu.memory_space<hbm>>
    %dma_start3A_97 = arith.constant 0 : i32
    %dma_start3A_98 = tpu.memref_slice %arg3[%dma_start3A_93, %add3A_92, %dma_start3A_97] : memref<4x8192x1024xf32, #tpu.memory_space<hbm>> -> memref<1x32x1024xf32, #tpu.memory_space<hbm>>
    %dma_start3A_99 = tpu.memref_squeeze %dma_start3A_98 : memref<1x32x1024xf32, #tpu.memory_space<hbm>> -> memref<32x1024xf32, #tpu.memory_space<hbm>>
    tpu.enqueue_dma source(%arg6 : memref<32x1024xf32, #tpu.memory_space<vmem>>) target(%dma_start3A_99 : memref<32x1024xf32, #tpu.memory_space<hbm>>) target_semaphore(%arg10 : memref<!tpu.dma_semaphore, #tpu.memory_space<semaphore_mem>>)
    %dma_start3A_100 = arith.constant 1 : i32
    %dma_start3A_101 = arith.constant 0 : i32
    %dma_start3A_102 = tpu.memref_slice %arg3[%dma_start3A_100, %add3A_92, %dma_start3A_101] : memref<4x8192x1024xf32, #tpu.memory_space<hbm>> -> memref<1x32x1024xf32, #tpu.memory_space<hbm>>
    %dma_start3A_103 = tpu.memref_squeeze %dma_start3A_102 : memref<1x32x1024xf32, #tpu.memory_space<hbm>> -> memref<32x1024xf32, #tpu.memory_space<hbm>>
    %dma_start3A_104 = arith.constant 0 : i32
    %dma_start3A_105 = tpu.memref_slice %arg3[%dma_start3A_100, %add3A_92, %dma_start3A_104] : memref<4x8192x1024xf32, #tpu.memory_space<hbm>> -> memref<1x32x1024xf32, #tpu.memory_space<hbm>>
    %dma_start3A_106 = tpu.memref_squeeze %dma_start3A_105 : memref<1x32x1024xf32, #tpu.memory_space<hbm>> -> memref<32x1024xf32, #tpu.memory_space<hbm>>
    tpu.enqueue_dma source(%arg6 : memref<32x1024xf32, #tpu.memory_space<vmem>>) target(%dma_start3A_106 : memref<32x1024xf32, #tpu.memory_space<hbm>>) target_semaphore(%arg10 : memref<!tpu.dma_semaphore, #tpu.memory_space<semaphore_mem>>)
    %dma_start3A_107 = arith.constant 2 : i32
    %dma_start3A_108 = arith.constant 0 : i32
    %dma_start3A_109 = tpu.memref_slice %arg3[%dma_start3A_107, %add3A_92, %dma_start3A_108] : memref<4x8192x1024xf32, #tpu.memory_space<hbm>> -> memref<1x32x1024xf32, #tpu.memory_space<hbm>>
    %dma_start3A_110 = tpu.memref_squeeze %dma_start3A_109 : memref<1x32x1024xf32, #tpu.memory_space<hbm>> -> memref<32x1024xf32, #tpu.memory_space<hbm>>
    %dma_start3A_111 = arith.constant 0 : i32
    %dma_start3A_112 = tpu.memref_slice %arg3[%dma_start3A_107, %add3A_92, %dma_start3A_111] : memref<4x8192x1024xf32, #tpu.memory_space<hbm>> -> memref<1x32x1024xf32, #tpu.memory_space<hbm>>
    %dma_start3A_113 = tpu.memref_squeeze %dma_start3A_112 : memref<1x32x1024xf32, #tpu.memory_space<hbm>> -> memref<32x1024xf32, #tpu.memory_space<hbm>>
    tpu.enqueue_dma source(%arg6 : memref<32x1024xf32, #tpu.memory_space<vmem>>) target(%dma_start3A_113 : memref<32x1024xf32, #tpu.memory_space<hbm>>) target_semaphore(%arg10 : memref<!tpu.dma_semaphore, #tpu.memory_space<semaphore_mem>>)
    %dma_start3A_114 = arith.constant 3 : i32
    %dma_start3A_115 = arith.constant 0 : i32
    %dma_start3A_116 = tpu.memref_slice %arg3[%dma_start3A_114, %add3A_92, %dma_start3A_115] : memref<4x8192x1024xf32, #tpu.memory_space<hbm>> -> memref<1x32x1024xf32, #tpu.memory_space<hbm>>
    %dma_start3A_117 = tpu.memref_squeeze %dma_start3A_116 : memref<1x32x1024xf32, #tpu.memory_space<hbm>> -> memref<32x1024xf32, #tpu.memory_space<hbm>>
    %dma_start3A_118 = arith.constant 0 : i32
    %dma_start3A_119 = tpu.memref_slice %arg3[%dma_start3A_114, %add3A_92, %dma_start3A_118] : memref<4x8192x1024xf32, #tpu.memory_space<hbm>> -> memref<1x32x1024xf32, #tpu.memory_space<hbm>>
    %dma_start3A_120 = tpu.memref_squeeze %dma_start3A_119 : memref<1x32x1024xf32, #tpu.memory_space<hbm>> -> memref<32x1024xf32, #tpu.memory_space<hbm>>
    tpu.enqueue_dma source(%arg6 : memref<32x1024xf32, #tpu.memory_space<vmem>>) target(%dma_start3A_120 : memref<32x1024xf32, #tpu.memory_space<hbm>>) target_semaphore(%arg10 : memref<!tpu.dma_semaphore, #tpu.memory_space<semaphore_mem>>)
    %dma_wait3A_121 = arith.constant 0 : i32
    %dma_wait3A_122 = arith.constant 0 : i32
    %dma_wait3A_123 = tpu.memref_slice %arg3[%dma_wait3A_121, %add3A_24, %dma_wait3A_122] : memref<4x8192x1024xf32, #tpu.memory_space<hbm>> -> memref<1x32x1024xf32, #tpu.memory_space<hbm>>
    %dma_wait3A_124 = tpu.memref_squeeze %dma_wait3A_123 : memref<1x32x1024xf32, #tpu.memory_space<hbm>> -> memref<32x1024xf32, #tpu.memory_space<hbm>>
    %dma_wait3A_125 = arith.constant 0 : i32
    %dma_wait3A_126 = tpu.memref_slice %arg3[%dma_wait3A_121, %add3A_24, %dma_wait3A_125] : memref<4x8192x1024xf32, #tpu.memory_space<hbm>> -> memref<1x32x1024xf32, #tpu.memory_space<hbm>>
    %dma_wait3A_127 = tpu.memref_squeeze %dma_wait3A_126 : memref<1x32x1024xf32, #tpu.memory_space<hbm>> -> memref<32x1024xf32, #tpu.memory_space<hbm>>
    tpu.wait_dma2 semaphore(%arg8 : memref<!tpu.dma_semaphore, #tpu.memory_space<semaphore_mem>>) src(%arg4 : memref<32x1024xf32, #tpu.memory_space<vmem>>) dst(%dma_wait3A_127 : memref<32x1024xf32, #tpu.memory_space<hbm>>)
    %dma_wait3A_128 = arith.constant 1 : i32
    %dma_wait3A_129 = arith.constant 0 : i32
    %dma_wait3A_130 = tpu.memref_slice %arg3[%dma_wait3A_128, %add3A_24, %dma_wait3A_129] : memref<4x8192x1024xf32, #tpu.memory_space<hbm>> -> memref<1x32x1024xf32, #tpu.memory_space<hbm>>
    %dma_wait3A_131 = tpu.memref_squeeze %dma_wait3A_130 : memref<1x32x1024xf32, #tpu.memory_space<hbm>> -> memref<32x1024xf32, #tpu.memory_space<hbm>>
    %dma_wait3A_132 = arith.constant 0 : i32
    %dma_wait3A_133 = tpu.memref_slice %arg3[%dma_wait3A_128, %add3A_24, %dma_wait3A_132] : memref<4x8192x1024xf32, #tpu.memory_space<hbm>> -> memref<1x32x1024xf32, #tpu.memory_space<hbm>>
    %dma_wait3A_134 = tpu.memref_squeeze %dma_wait3A_133 : memref<1x32x1024xf32, #tpu.memory_space<hbm>> -> memref<32x1024xf32, #tpu.memory_space<hbm>>
    tpu.wait_dma2 semaphore(%arg8 : memref<!tpu.dma_semaphore, #tpu.memory_space<semaphore_mem>>) src(%arg4 : memref<32x1024xf32, #tpu.memory_space<vmem>>) dst(%dma_wait3A_134 : memref<32x1024xf32, #tpu.memory_space<hbm>>)
    %dma_wait3A_135 = arith.constant 2 : i32
    %dma_wait3A_136 = arith.constant 0 : i32
    %dma_wait3A_137 = tpu.memref_slice %arg3[%dma_wait3A_135, %add3A_24, %dma_wait3A_136] : memref<4x8192x1024xf32, #tpu.memory_space<hbm>> -> memref<1x32x1024xf32, #tpu.memory_space<hbm>>
    %dma_wait3A_138 = tpu.memref_squeeze %dma_wait3A_137 : memref<1x32x1024xf32, #tpu.memory_space<hbm>> -> memref<32x1024xf32, #tpu.memory_space<hbm>>
    %dma_wait3A_139 = arith.constant 0 : i32
    %dma_wait3A_140 = tpu.memref_slice %arg3[%dma_wait3A_135, %add3A_24, %dma_wait3A_139] : memref<4x8192x1024xf32, #tpu.memory_space<hbm>> -> memref<1x32x1024xf32, #tpu.memory_space<hbm>>
    %dma_wait3A_141 = tpu.memref_squeeze %dma_wait3A_140 : memref<1x32x1024xf32, #tpu.memory_space<hbm>> -> memref<32x1024xf32, #tpu.memory_space<hbm>>
    tpu.wait_dma2 semaphore(%arg8 : memref<!tpu.dma_semaphore, #tpu.memory_space<semaphore_mem>>) src(%arg4 : memref<32x1024xf32, #tpu.memory_space<vmem>>) dst(%dma_wait3A_141 : memref<32x1024xf32, #tpu.memory_space<hbm>>)
    %dma_wait3A_142 = arith.constant 3 : i32
    %dma_wait3A_143 = arith.constant 0 : i32
    %dma_wait3A_144 = tpu.memref_slice %arg3[%dma_wait3A_142, %add3A_24, %dma_wait3A_143] : memref<4x8192x1024xf32, #tpu.memory_space<hbm>> -> memref<1x32x1024xf32, #tpu.memory_space<hbm>>
    %dma_wait3A_145 = tpu.memref_squeeze %dma_wait3A_144 : memref<1x32x1024xf32, #tpu.memory_space<hbm>> -> memref<32x1024xf32, #tpu.memory_space<hbm>>
    %dma_wait3A_146 = arith.constant 0 : i32
    %dma_wait3A_147 = tpu.memref_slice %arg3[%dma_wait3A_142, %add3A_24, %dma_wait3A_146] : memref<4x8192x1024xf32, #tpu.memory_space<hbm>> -> memref<1x32x1024xf32, #tpu.memory_space<hbm>>
    %dma_wait3A_148 = tpu.memref_squeeze %dma_wait3A_147 : memref<1x32x1024xf32, #tpu.memory_space<hbm>> -> memref<32x1024xf32, #tpu.memory_space<hbm>>
    tpu.wait_dma2 semaphore(%arg8 : memref<!tpu.dma_semaphore, #tpu.memory_space<semaphore_mem>>) src(%arg4 : memref<32x1024xf32, #tpu.memory_space<vmem>>) dst(%dma_wait3A_148 : memref<32x1024xf32, #tpu.memory_space<hbm>>)
    %add3A_149 = arith.constant 96 : i32
    %add3A_150 = arith.addi %mul3A_2, %add3A_149 : i32
    %dma_start3A_151 = arith.constant 0 : i32
    %dma_start3A_152 = tpu.memref_slice %arg2[%add3A_150, %dma_start3A_151] : memref<8192x1024xf32, #tpu.memory_space<hbm>> -> memref<32x1024xf32, #tpu.memory_space<hbm>>
    %dma_start3A_153 = arith.constant 0 : i32
    %dma_start3A_154 = tpu.memref_slice %arg2[%add3A_150, %dma_start3A_153] : memref<8192x1024xf32, #tpu.memory_space<hbm>> -> memref<32x1024xf32, #tpu.memory_space<hbm>>
    tpu.enqueue_dma source(%dma_start3A_154 : memref<32x1024xf32, #tpu.memory_space<hbm>>) target(%arg4 : memref<32x1024xf32, #tpu.memory_space<vmem>>) target_semaphore(%arg7 : memref<!tpu.dma_semaphore, #tpu.memory_space<semaphore_mem>>)
    %dma_wait3A_155 = arith.constant 0 : i32
    %dma_wait3A_156 = tpu.memref_slice %arg2[%add3A_150, %dma_wait3A_155] : memref<8192x1024xf32, #tpu.memory_space<hbm>> -> memref<32x1024xf32, #tpu.memory_space<hbm>>
    %dma_wait3A_157 = arith.constant 0 : i32
    %dma_wait3A_158 = tpu.memref_slice %arg2[%add3A_150, %dma_wait3A_157] : memref<8192x1024xf32, #tpu.memory_space<hbm>> -> memref<32x1024xf32, #tpu.memory_space<hbm>>
    tpu.wait_dma2 semaphore(%arg7 : memref<!tpu.dma_semaphore, #tpu.memory_space<semaphore_mem>>) src(%dma_wait3A_158 : memref<32x1024xf32, #tpu.memory_space<hbm>>) dst(%arg4 : memref<32x1024xf32, #tpu.memory_space<vmem>>)
    %add3A_159 = arith.constant 96 : i32
    %add3A_160 = arith.addi %mul3A_2, %add3A_159 : i32
    %dma_start3A_161 = arith.constant 0 : i32
    %dma_start3A_162 = arith.constant 0 : i32
    %dma_start3A_163 = tpu.memref_slice %arg3[%dma_start3A_161, %add3A_160, %dma_start3A_162] : memref<4x8192x1024xf32, #tpu.memory_space<hbm>> -> memref<1x32x1024xf32, #tpu.memory_space<hbm>>
    %dma_start3A_164 = tpu.memref_squeeze %dma_start3A_163 : memref<1x32x1024xf32, #tpu.memory_space<hbm>> -> memref<32x1024xf32, #tpu.memory_space<hbm>>
    %dma_start3A_165 = arith.constant 0 : i32
    %dma_start3A_166 = tpu.memref_slice %arg3[%dma_start3A_161, %add3A_160, %dma_start3A_165] : memref<4x8192x1024xf32, #tpu.memory_space<hbm>> -> memref<1x32x1024xf32, #tpu.memory_space<hbm>>
    %dma_start3A_167 = tpu.memref_squeeze %dma_start3A_166 : memref<1x32x1024xf32, #tpu.memory_space<hbm>> -> memref<32x1024xf32, #tpu.memory_space<hbm>>
    tpu.enqueue_dma source(%arg4 : memref<32x1024xf32, #tpu.memory_space<vmem>>) target(%dma_start3A_167 : memref<32x1024xf32, #tpu.memory_space<hbm>>) target_semaphore(%arg8 : memref<!tpu.dma_semaphore, #tpu.memory_space<semaphore_mem>>)
    %dma_start3A_168 = arith.constant 1 : i32
    %dma_start3A_169 = arith.constant 0 : i32
    %dma_start3A_170 = tpu.memref_slice %arg3[%dma_start3A_168, %add3A_160, %dma_start3A_169] : memref<4x8192x1024xf32, #tpu.memory_space<hbm>> -> memref<1x32x1024xf32, #tpu.memory_space<hbm>>
    %dma_start3A_171 = tpu.memref_squeeze %dma_start3A_170 : memref<1x32x1024xf32, #tpu.memory_space<hbm>> -> memref<32x1024xf32, #tpu.memory_space<hbm>>
    %dma_start3A_172 = arith.constant 0 : i32
    %dma_start3A_173 = tpu.memref_slice %arg3[%dma_start3A_168, %add3A_160, %dma_start3A_172] : memref<4x8192x1024xf32, #tpu.memory_space<hbm>> -> memref<1x32x1024xf32, #tpu.memory_space<hbm>>
    %dma_start3A_174 = tpu.memref_squeeze %dma_start3A_173 : memref<1x32x1024xf32, #tpu.memory_space<hbm>> -> memref<32x1024xf32, #tpu.memory_space<hbm>>
    tpu.enqueue_dma source(%arg4 : memref<32x1024xf32, #tpu.memory_space<vmem>>) target(%dma_start3A_174 : memref<32x1024xf32, #tpu.memory_space<hbm>>) target_semaphore(%arg8 : memref<!tpu.dma_semaphore, #tpu.memory_space<semaphore_mem>>)
    %dma_start3A_175 = arith.constant 2 : i32
    %dma_start3A_176 = arith.constant 0 : i32
    %dma_start3A_177 = tpu.memref_slice %arg3[%dma_start3A_175, %add3A_160, %dma_start3A_176] : memref<4x8192x1024xf32, #tpu.memory_space<hbm>> -> memref<1x32x1024xf32, #tpu.memory_space<hbm>>
    %dma_start3A_178 = tpu.memref_squeeze %dma_start3A_177 : memref<1x32x1024xf32, #tpu.memory_space<hbm>> -> memref<32x1024xf32, #tpu.memory_space<hbm>>
    %dma_start3A_179 = arith.constant 0 : i32
    %dma_start3A_180 = tpu.memref_slice %arg3[%dma_start3A_175, %add3A_160, %dma_start3A_179] : memref<4x8192x1024xf32, #tpu.memory_space<hbm>> -> memref<1x32x1024xf32, #tpu.memory_space<hbm>>
    %dma_start3A_181 = tpu.memref_squeeze %dma_start3A_180 : memref<1x32x1024xf32, #tpu.memory_space<hbm>> -> memref<32x1024xf32, #tpu.memory_space<hbm>>
    tpu.enqueue_dma source(%arg4 : memref<32x1024xf32, #tpu.memory_space<vmem>>) target(%dma_start3A_181 : memref<32x1024xf32, #tpu.memory_space<hbm>>) target_semaphore(%arg8 : memref<!tpu.dma_semaphore, #tpu.memory_space<semaphore_mem>>)
    %dma_start3A_182 = arith.constant 3 : i32
    %dma_start3A_183 = arith.constant 0 : i32
    %dma_start3A_184 = tpu.memref_slice %arg3[%dma_start3A_182, %add3A_160, %dma_start3A_183] : memref<4x8192x1024xf32, #tpu.memory_space<hbm>> -> memref<1x32x1024xf32, #tpu.memory_space<hbm>>
    %dma_start3A_185 = tpu.memref_squeeze %dma_start3A_184 : memref<1x32x1024xf32, #tpu.memory_space<hbm>> -> memref<32x1024xf32, #tpu.memory_space<hbm>>
    %dma_start3A_186 = arith.constant 0 : i32
    %dma_start3A_187 = tpu.memref_slice %arg3[%dma_start3A_182, %add3A_160, %dma_start3A_186] : memref<4x8192x1024xf32, #tpu.memory_space<hbm>> -> memref<1x32x1024xf32, #tpu.memory_space<hbm>>
    %dma_start3A_188 = tpu.memref_squeeze %dma_start3A_187 : memref<1x32x1024xf32, #tpu.memory_space<hbm>> -> memref<32x1024xf32, #tpu.memory_space<hbm>>
    tpu.enqueue_dma source(%arg4 : memref<32x1024xf32, #tpu.memory_space<vmem>>) target(%dma_start3A_188 : memref<32x1024xf32, #tpu.memory_space<hbm>>) target_semaphore(%arg8 : memref<!tpu.dma_semaphore, #tpu.memory_space<semaphore_mem>>)
    %dma_wait3A_189 = arith.constant 0 : i32
    %dma_wait3A_190 = arith.constant 0 : i32
    %dma_wait3A_191 = tpu.memref_slice %arg3[%dma_wait3A_189, %add3A_58, %dma_wait3A_190] : memref<4x8192x1024xf32, #tpu.memory_space<hbm>> -> memref<1x32x1024xf32, #tpu.memory_space<hbm>>
    %dma_wait3A_192 = tpu.memref_squeeze %dma_wait3A_191 : memref<1x32x1024xf32, #tpu.memory_space<hbm>> -> memref<32x1024xf32, #tpu.memory_space<hbm>>
    %dma_wait3A_193 = arith.constant 0 : i32
    %dma_wait3A_194 = tpu.memref_slice %arg3[%dma_wait3A_189, %add3A_58, %dma_wait3A_193] : memref<4x8192x1024xf32, #tpu.memory_space<hbm>> -> memref<1x32x1024xf32, #tpu.memory_space<hbm>>
    %dma_wait3A_195 = tpu.memref_squeeze %dma_wait3A_194 : memref<1x32x1024xf32, #tpu.memory_space<hbm>> -> memref<32x1024xf32, #tpu.memory_space<hbm>>
    tpu.wait_dma2 semaphore(%arg9 : memref<!tpu.dma_semaphore, #tpu.memory_space<semaphore_mem>>) src(%arg5 : memref<32x1024xf32, #tpu.memory_space<vmem>>) dst(%dma_wait3A_195 : memref<32x1024xf32, #tpu.memory_space<hbm>>)
    %dma_wait3A_196 = arith.constant 1 : i32
    %dma_wait3A_197 = arith.constant 0 : i32
    %dma_wait3A_198 = tpu.memref_slice %arg3[%dma_wait3A_196, %add3A_58, %dma_wait3A_197] : memref<4x8192x1024xf32, #tpu.memory_space<hbm>> -> memref<1x32x1024xf32, #tpu.memory_space<hbm>>
    %dma_wait3A_199 = tpu.memref_squeeze %dma_wait3A_198 : memref<1x32x1024xf32, #tpu.memory_space<hbm>> -> memref<32x1024xf32, #tpu.memory_space<hbm>>
    %dma_wait3A_200 = arith.constant 0 : i32
    %dma_wait3A_201 = tpu.memref_slice %arg3[%dma_wait3A_196, %add3A_58, %dma_wait3A_200] : memref<4x8192x1024xf32, #tpu.memory_space<hbm>> -> memref<1x32x1024xf32, #tpu.memory_space<hbm>>
    %dma_wait3A_202 = tpu.memref_squeeze %dma_wait3A_201 : memref<1x32x1024xf32, #tpu.memory_space<hbm>> -> memref<32x1024xf32, #tpu.memory_space<hbm>>
    tpu.wait_dma2 semaphore(%arg9 : memref<!tpu.dma_semaphore, #tpu.memory_space<semaphore_mem>>) src(%arg5 : memref<32x1024xf32, #tpu.memory_space<vmem>>) dst(%dma_wait3A_202 : memref<32x1024xf32, #tpu.memory_space<hbm>>)
    %dma_wait3A_203 = arith.constant 2 : i32
    %dma_wait3A_204 = arith.constant 0 : i32
    %dma_wait3A_205 = tpu.memref_slice %arg3[%dma_wait3A_203, %add3A_58, %dma_wait3A_204] : memref<4x8192x1024xf32, #tpu.memory_space<hbm>> -> memref<1x32x1024xf32, #tpu.memory_space<hbm>>
    %dma_wait3A_206 = tpu.memref_squeeze %dma_wait3A_205 : memref<1x32x1024xf32, #tpu.memory_space<hbm>> -> memref<32x1024xf32, #tpu.memory_space<hbm>>
    %dma_wait3A_207 = arith.constant 0 : i32
    %dma_wait3A_208 = tpu.memref_slice %arg3[%dma_wait3A_203, %add3A_58, %dma_wait3A_207] : memref<4x8192x1024xf32, #tpu.memory_space<hbm>> -> memref<1x32x1024xf32, #tpu.memory_space<hbm>>
    %dma_wait3A_209 = tpu.memref_squeeze %dma_wait3A_208 : memref<1x32x1024xf32, #tpu.memory_space<hbm>> -> memref<32x1024xf32, #tpu.memory_space<hbm>>
    tpu.wait_dma2 semaphore(%arg9 : memref<!tpu.dma_semaphore, #tpu.memory_space<semaphore_mem>>) src(%arg5 : memref<32x1024xf32, #tpu.memory_space<vmem>>) dst(%dma_wait3A_209 : memref<32x1024xf32, #tpu.memory_space<hbm>>)
    %dma_wait3A_210 = arith.constant 3 : i32
    %dma_wait3A_211 = arith.constant 0 : i32
    %dma_wait3A_212 = tpu.memref_slice %arg3[%dma_wait3A_210, %add3A_58, %dma_wait3A_211] : memref<4x8192x1024xf32, #tpu.memory_space<hbm>> -> memref<1x32x1024xf32, #tpu.memory_space<hbm>>
    %dma_wait3A_213 = tpu.memref_squeeze %dma_wait3A_212 : memref<1x32x1024xf32, #tpu.memory_space<hbm>> -> memref<32x1024xf32, #tpu.memory_space<hbm>>
    %dma_wait3A_214 = arith.constant 0 : i32
    %dma_wait3A_215 = tpu.memref_slice %arg3[%dma_wait3A_210, %add3A_58, %dma_wait3A_214] : memref<4x8192x1024xf32, #tpu.memory_space<hbm>> -> memref<1x32x1024xf32, #tpu.memory_space<hbm>>
    %dma_wait3A_216 = tpu.memref_squeeze %dma_wait3A_215 : memref<1x32x1024xf32, #tpu.memory_space<hbm>> -> memref<32x1024xf32, #tpu.memory_space<hbm>>
    tpu.wait_dma2 semaphore(%arg9 : memref<!tpu.dma_semaphore, #tpu.memory_space<semaphore_mem>>) src(%arg5 : memref<32x1024xf32, #tpu.memory_space<vmem>>) dst(%dma_wait3A_216 : memref<32x1024xf32, #tpu.memory_space<hbm>>)
    %add3A_217 = arith.constant 128 : i32
    %add3A_218 = arith.addi %mul3A_2, %add3A_217 : i32
    %dma_start3A_219 = arith.constant 0 : i32
    %dma_start3A_220 = tpu.memref_slice %arg2[%add3A_218, %dma_start3A_219] : memref<8192x1024xf32, #tpu.memory_space<hbm>> -> memref<32x1024xf32, #tpu.memory_space<hbm>>
    %dma_start3A_221 = arith.constant 0 : i32
    %dma_start3A_222 = tpu.memref_slice %arg2[%add3A_218, %dma_start3A_221] : memref<8192x1024xf32, #tpu.memory_space<hbm>> -> memref<32x1024xf32, #tpu.memory_space<hbm>>
    tpu.enqueue_dma source(%dma_start3A_222 : memref<32x1024xf32, #tpu.memory_space<hbm>>) target(%arg5 : memref<32x1024xf32, #tpu.memory_space<vmem>>) target_semaphore(%arg7 : memref<!tpu.dma_semaphore, #tpu.memory_space<semaphore_mem>>)
    %dma_wait3A_223 = arith.constant 0 : i32
    %dma_wait3A_224 = tpu.memref_slice %arg2[%add3A_218, %dma_wait3A_223] : memref<8192x1024xf32, #tpu.memory_space<hbm>> -> memref<32x1024xf32, #tpu.memory_space<hbm>>
    %dma_wait3A_225 = arith.constant 0 : i32
    %dma_wait3A_226 = tpu.memref_slice %arg2[%add3A_218, %dma_wait3A_225] : memref<8192x1024xf32, #tpu.memory_space<hbm>> -> memref<32x1024xf32, #tpu.memory_space<hbm>>
    tpu.wait_dma2 semaphore(%arg7 : memref<!tpu.dma_semaphore, #tpu.memory_space<semaphore_mem>>) src(%dma_wait3A_226 : memref<32x1024xf32, #tpu.memory_space<hbm>>) dst(%arg5 : memref<32x1024xf32, #tpu.memory_space<vmem>>)
    %add3A_227 = arith.constant 128 : i32
    %add3A_228 = arith.addi %mul3A_2, %add3A_227 : i32
    %dma_start3A_229 = arith.constant 0 : i32
    %dma_start3A_230 = arith.constant 0 : i32
    %dma_start3A_231 = tpu.memref_slice %arg3[%dma_start3A_229, %add3A_228, %dma_start3A_230] : memref<4x8192x1024xf32, #tpu.memory_space<hbm>> -> memref<1x32x1024xf32, #tpu.memory_space<hbm>>
    %dma_start3A_232 = tpu.memref_squeeze %dma_start3A_231 : memref<1x32x1024xf32, #tpu.memory_space<hbm>> -> memref<32x1024xf32, #tpu.memory_space<hbm>>
    %dma_start3A_233 = arith.constant 0 : i32
    %dma_start3A_234 = tpu.memref_slice %arg3[%dma_start3A_229, %add3A_228, %dma_start3A_233] : memref<4x8192x1024xf32, #tpu.memory_space<hbm>> -> memref<1x32x1024xf32, #tpu.memory_space<hbm>>
    %dma_start3A_235 = tpu.memref_squeeze %dma_start3A_234 : memref<1x32x1024xf32, #tpu.memory_space<hbm>> -> memref<32x1024xf32, #tpu.memory_space<hbm>>
    tpu.enqueue_dma source(%arg5 : memref<32x1024xf32, #tpu.memory_space<vmem>>) target(%dma_start3A_235 : memref<32x1024xf32, #tpu.memory_space<hbm>>) target_semaphore(%arg9 : memref<!tpu.dma_semaphore, #tpu.memory_space<semaphore_mem>>)
    %dma_start3A_236 = arith.constant 1 : i32
    %dma_start3A_237 = arith.constant 0 : i32
    %dma_start3A_238 = tpu.memref_slice %arg3[%dma_start3A_236, %add3A_228, %dma_start3A_237] : memref<4x8192x1024xf32, #tpu.memory_space<hbm>> -> memref<1x32x1024xf32, #tpu.memory_space<hbm>>
    %dma_start3A_239 = tpu.memref_squeeze %dma_start3A_238 : memref<1x32x1024xf32, #tpu.memory_space<hbm>> -> memref<32x1024xf32, #tpu.memory_space<hbm>>
    %dma_start3A_240 = arith.constant 0 : i32
    %dma_start3A_241 = tpu.memref_slice %arg3[%dma_start3A_236, %add3A_228, %dma_start3A_240] : memref<4x8192x1024xf32, #tpu.memory_space<hbm>> -> memref<1x32x1024xf32, #tpu.memory_space<hbm>>
    %dma_start3A_242 = tpu.memref_squeeze %dma_start3A_241 : memref<1x32x1024xf32, #tpu.memory_space<hbm>> -> memref<32x1024xf32, #tpu.memory_space<hbm>>
    tpu.enqueue_dma source(%arg5 : memref<32x1024xf32, #tpu.memory_space<vmem>>) target(%dma_start3A_242 : memref<32x1024xf32, #tpu.memory_space<hbm>>) target_semaphore(%arg9 : memref<!tpu.dma_semaphore, #tpu.memory_space<semaphore_mem>>)
    %dma_start3A_243 = arith.constant 2 : i32
    %dma_start3A_244 = arith.constant 0 : i32
    %dma_start3A_245 = tpu.memref_slice %arg3[%dma_start3A_243, %add3A_228, %dma_start3A_244] : memref<4x8192x1024xf32, #tpu.memory_space<hbm>> -> memref<1x32x1024xf32, #tpu.memory_space<hbm>>
    %dma_start3A_246 = tpu.memref_squeeze %dma_start3A_245 : memref<1x32x1024xf32, #tpu.memory_space<hbm>> -> memref<32x1024xf32, #tpu.memory_space<hbm>>
    %dma_start3A_247 = arith.constant 0 : i32
    %dma_start3A_248 = tpu.memref_slice %arg3[%dma_start3A_243, %add3A_228, %dma_start3A_247] : memref<4x8192x1024xf32, #tpu.memory_space<hbm>> -> memref<1x32x1024xf32, #tpu.memory_space<hbm>>
    %dma_start3A_249 = tpu.memref_squeeze %dma_start3A_248 : memref<1x32x1024xf32, #tpu.memory_space<hbm>> -> memref<32x1024xf32, #tpu.memory_space<hbm>>
    tpu.enqueue_dma source(%arg5 : memref<32x1024xf32, #tpu.memory_space<vmem>>) target(%dma_start3A_249 : memref<32x1024xf32, #tpu.memory_space<hbm>>) target_semaphore(%arg9 : memref<!tpu.dma_semaphore, #tpu.memory_space<semaphore_mem>>)
    %dma_start3A_250 = arith.constant 3 : i32
    %dma_start3A_251 = arith.constant 0 : i32
    %dma_start3A_252 = tpu.memref_slice %arg3[%dma_start3A_250, %add3A_228, %dma_start3A_251] : memref<4x8192x1024xf32, #tpu.memory_space<hbm>> -> memref<1x32x1024xf32, #tpu.memory_space<hbm>>
    %dma_start3A_253 = tpu.memref_squeeze %dma_start3A_252 : memref<1x32x1024xf32, #tpu.memory_space<hbm>> -> memref<32x1024xf32, #tpu.memory_space<hbm>>
    %dma_start3A_254 = arith.constant 0 : i32
    %dma_start3A_255 = tpu.memref_slice %arg3[%dma_start3A_250, %add3A_228, %dma_start3A_254] : memref<4x8192x1024xf32, #tpu.memory_space<hbm>> -> memref<1x32x1024xf32, #tpu.memory_space<hbm>>
    %dma_start3A_256 = tpu.memref_squeeze %dma_start3A_255 : memref<1x32x1024xf32, #tpu.memory_space<hbm>> -> memref<32x1024xf32, #tpu.memory_space<hbm>>
    tpu.enqueue_dma source(%arg5 : memref<32x1024xf32, #tpu.memory_space<vmem>>) target(%dma_start3A_256 : memref<32x1024xf32, #tpu.memory_space<hbm>>) target_semaphore(%arg9 : memref<!tpu.dma_semaphore, #tpu.memory_space<semaphore_mem>>)
    %dma_wait3A_257 = arith.constant 0 : i32
    %dma_wait3A_258 = arith.constant 0 : i32
    %dma_wait3A_259 = tpu.memref_slice %arg3[%dma_wait3A_257, %add3A_92, %dma_wait3A_258] : memref<4x8192x1024xf32, #tpu.memory_space<hbm>> -> memref<1x32x1024xf32, #tpu.memory_space<hbm>>
    %dma_wait3A_260 = tpu.memref_squeeze %dma_wait3A_259 : memref<1x32x1024xf32, #tpu.memory_space<hbm>> -> memref<32x1024xf32, #tpu.memory_space<hbm>>
    %dma_wait3A_261 = arith.constant 0 : i32
    %dma_wait3A_262 = tpu.memref_slice %arg3[%dma_wait3A_257, %add3A_92, %dma_wait3A_261] : memref<4x8192x1024xf32, #tpu.memory_space<hbm>> -> memref<1x32x1024xf32, #tpu.memory_space<hbm>>
    %dma_wait3A_263 = tpu.memref_squeeze %dma_wait3A_262 : memref<1x32x1024xf32, #tpu.memory_space<hbm>> -> memref<32x1024xf32, #tpu.memory_space<hbm>>
    tpu.wait_dma2 semaphore(%arg10 : memref<!tpu.dma_semaphore, #tpu.memory_space<semaphore_mem>>) src(%arg6 : memref<32x1024xf32, #tpu.memory_space<vmem>>) dst(%dma_wait3A_263 : memref<32x1024xf32, #tpu.memory_space<hbm>>)
    %dma_wait3A_264 = arith.constant 1 : i32
    %dma_wait3A_265 = arith.constant 0 : i32
    %dma_wait3A_266 = tpu.memref_slice %arg3[%dma_wait3A_264, %add3A_92, %dma_wait3A_265] : memref<4x8192x1024xf32, #tpu.memory_space<hbm>> -> memref<1x32x1024xf32, #tpu.memory_space<hbm>>
    %dma_wait3A_267 = tpu.memref_squeeze %dma_wait3A_266 : memref<1x32x1024xf32, #tpu.memory_space<hbm>> -> memref<32x1024xf32, #tpu.memory_space<hbm>>
    %dma_wait3A_268 = arith.constant 0 : i32
    %dma_wait3A_269 = tpu.memref_slice %arg3[%dma_wait3A_264, %add3A_92, %dma_wait3A_268] : memref<4x8192x1024xf32, #tpu.memory_space<hbm>> -> memref<1x32x1024xf32, #tpu.memory_space<hbm>>
    %dma_wait3A_270 = tpu.memref_squeeze %dma_wait3A_269 : memref<1x32x1024xf32, #tpu.memory_space<hbm>> -> memref<32x1024xf32, #tpu.memory_space<hbm>>
    tpu.wait_dma2 semaphore(%arg10 : memref<!tpu.dma_semaphore, #tpu.memory_space<semaphore_mem>>) src(%arg6 : memref<32x1024xf32, #tpu.memory_space<vmem>>) dst(%dma_wait3A_270 : memref<32x1024xf32, #tpu.memory_space<hbm>>)
    %dma_wait3A_271 = arith.constant 2 : i32
    %dma_wait3A_272 = arith.constant 0 : i32
    %dma_wait3A_273 = tpu.memref_slice %arg3[%dma_wait3A_271, %add3A_92, %dma_wait3A_272] : memref<4x8192x1024xf32, #tpu.memory_space<hbm>> -> memref<1x32x1024xf32, #tpu.memory_space<hbm>>
    %dma_wait3A_274 = tpu.memref_squeeze %dma_wait3A_273 : memref<1x32x1024xf32, #tpu.memory_space<hbm>> -> memref<32x1024xf32, #tpu.memory_space<hbm>>
    %dma_wait3A_275 = arith.constant 0 : i32
    %dma_wait3A_276 = tpu.memref_slice %arg3[%dma_wait3A_271, %add3A_92, %dma_wait3A_275] : memref<4x8192x1024xf32, #tpu.memory_space<hbm>> -> memref<1x32x1024xf32, #tpu.memory_space<hbm>>
    %dma_wait3A_277 = tpu.memref_squeeze %dma_wait3A_276 : memref<1x32x1024xf32, #tpu.memory_space<hbm>> -> memref<32x1024xf32, #tpu.memory_space<hbm>>
    tpu.wait_dma2 semaphore(%arg10 : memref<!tpu.dma_semaphore, #tpu.memory_space<semaphore_mem>>) src(%arg6 : memref<32x1024xf32, #tpu.memory_space<vmem>>) dst(%dma_wait3A_277 : memref<32x1024xf32, #tpu.memory_space<hbm>>)
    %dma_wait3A_278 = arith.constant 3 : i32
    %dma_wait3A_279 = arith.constant 0 : i32
    %dma_wait3A_280 = tpu.memref_slice %arg3[%dma_wait3A_278, %add3A_92, %dma_wait3A_279] : memref<4x8192x1024xf32, #tpu.memory_space<hbm>> -> memref<1x32x1024xf32, #tpu.memory_space<hbm>>
    %dma_wait3A_281 = tpu.memref_squeeze %dma_wait3A_280 : memref<1x32x1024xf32, #tpu.memory_space<hbm>> -> memref<32x1024xf32, #tpu.memory_space<hbm>>
    %dma_wait3A_282 = arith.constant 0 : i32
    %dma_wait3A_283 = tpu.memref_slice %arg3[%dma_wait3A_278, %add3A_92, %dma_wait3A_282] : memref<4x8192x1024xf32, #tpu.memory_space<hbm>> -> memref<1x32x1024xf32, #tpu.memory_space<hbm>>
    %dma_wait3A_284 = tpu.memref_squeeze %dma_wait3A_283 : memref<1x32x1024xf32, #tpu.memory_space<hbm>> -> memref<32x1024xf32, #tpu.memory_space<hbm>>
    tpu.wait_dma2 semaphore(%arg10 : memref<!tpu.dma_semaphore, #tpu.memory_space<semaphore_mem>>) src(%arg6 : memref<32x1024xf32, #tpu.memory_space<vmem>>) dst(%dma_wait3A_284 : memref<32x1024xf32, #tpu.memory_space<hbm>>)
    %add3A_285 = arith.constant 160 : i32
    %add3A_286 = arith.addi %mul3A_2, %add3A_285 : i32
    %dma_start3A_287 = arith.constant 0 : i32
    %dma_start3A_288 = tpu.memref_slice %arg2[%add3A_286, %dma_start3A_287] : memref<8192x1024xf32, #tpu.memory_space<hbm>> -> memref<32x1024xf32, #tpu.memory_space<hbm>>
    %dma_start3A_289 = arith.constant 0 : i32
    %dma_start3A_290 = tpu.memref_slice %arg2[%add3A_286, %dma_start3A_289] : memref<8192x1024xf32, #tpu.memory_space<hbm>> -> memref<32x1024xf32, #tpu.memory_space<hbm>>
    tpu.enqueue_dma source(%dma_start3A_290 : memref<32x1024xf32, #tpu.memory_space<hbm>>) target(%arg6 : memref<32x1024xf32, #tpu.memory_space<vmem>>) target_semaphore(%arg7 : memref<!tpu.dma_semaphore, #tpu.memory_space<semaphore_mem>>)
    %dma_wait3A_291 = arith.constant 0 : i32
    %dma_wait3A_292 = tpu.memref_slice %arg2[%add3A_286, %dma_wait3A_291] : memref<8192x1024xf32, #tpu.memory_space<hbm>> -> memref<32x1024xf32, #tpu.memory_space<hbm>>
    %dma_wait3A_293 = arith.constant 0 : i32
    %dma_wait3A_294 = tpu.memref_slice %arg2[%add3A_286, %dma_wait3A_293] : memref<8192x1024xf32, #tpu.memory_space<hbm>> -> memref<32x1024xf32, #tpu.memory_space<hbm>>
    tpu.wait_dma2 semaphore(%arg7 : memref<!tpu.dma_semaphore, #tpu.memory_space<semaphore_mem>>) src(%dma_wait3A_294 : memref<32x1024xf32, #tpu.memory_space<hbm>>) dst(%arg6 : memref<32x1024xf32, #tpu.memory_space<vmem>>)
    %add3A_295 = arith.constant 160 : i32
    %add3A_296 = arith.addi %mul3A_2, %add3A_295 : i32
    %dma_start3A_297 = arith.constant 0 : i32
    %dma_start3A_298 = arith.constant 0 : i32
    %dma_start3A_299 = tpu.memref_slice %arg3[%dma_start3A_297, %add3A_296, %dma_start3A_298] : memref<4x8192x1024xf32, #tpu.memory_space<hbm>> -> memref<1x32x1024xf32, #tpu.memory_space<hbm>>
    %dma_start3A_300 = tpu.memref_squeeze %dma_start3A_299 : memref<1x32x1024xf32, #tpu.memory_space<hbm>> -> memref<32x1024xf32, #tpu.memory_space<hbm>>
    %dma_start3A_301 = arith.constant 0 : i32
    %dma_start3A_302 = tpu.memref_slice %arg3[%dma_start3A_297, %add3A_296, %dma_start3A_301] : memref<4x8192x1024xf32, #tpu.memory_space<hbm>> -> memref<1x32x1024xf32, #tpu.memory_space<hbm>>
    %dma_start3A_303 = tpu.memref_squeeze %dma_start3A_302 : memref<1x32x1024xf32, #tpu.memory_space<hbm>> -> memref<32x1024xf32, #tpu.memory_space<hbm>>
    tpu.enqueue_dma source(%arg6 : memref<32x1024xf32, #tpu.memory_space<vmem>>) target(%dma_start3A_303 : memref<32x1024xf32, #tpu.memory_space<hbm>>) target_semaphore(%arg10 : memref<!tpu.dma_semaphore, #tpu.memory_space<semaphore_mem>>)
    %dma_start3A_304 = arith.constant 1 : i32
    %dma_start3A_305 = arith.constant 0 : i32
    %dma_start3A_306 = tpu.memref_slice %arg3[%dma_start3A_304, %add3A_296, %dma_start3A_305] : memref<4x8192x1024xf32, #tpu.memory_space<hbm>> -> memref<1x32x1024xf32, #tpu.memory_space<hbm>>
    %dma_start3A_307 = tpu.memref_squeeze %dma_start3A_306 : memref<1x32x1024xf32, #tpu.memory_space<hbm>> -> memref<32x1024xf32, #tpu.memory_space<hbm>>
    %dma_start3A_308 = arith.constant 0 : i32
    %dma_start3A_309 = tpu.memref_slice %arg3[%dma_start3A_304, %add3A_296, %dma_start3A_308] : memref<4x8192x1024xf32, #tpu.memory_space<hbm>> -> memref<1x32x1024xf32, #tpu.memory_space<hbm>>
    %dma_start3A_310 = tpu.memref_squeeze %dma_start3A_309 : memref<1x32x1024xf32, #tpu.memory_space<hbm>> -> memref<32x1024xf32, #tpu.memory_space<hbm>>
    tpu.enqueue_dma source(%arg6 : memref<32x1024xf32, #tpu.memory_space<vmem>>) target(%dma_start3A_310 : memref<32x1024xf32, #tpu.memory_space<hbm>>) target_semaphore(%arg10 : memref<!tpu.dma_semaphore, #tpu.memory_space<semaphore_mem>>)
    %dma_start3A_311 = arith.constant 2 : i32
    %dma_start3A_312 = arith.constant 0 : i32
    %dma_start3A_313 = tpu.memref_slice %arg3[%dma_start3A_311, %add3A_296, %dma_start3A_312] : memref<4x8192x1024xf32, #tpu.memory_space<hbm>> -> memref<1x32x1024xf32, #tpu.memory_space<hbm>>
    %dma_start3A_314 = tpu.memref_squeeze %dma_start3A_313 : memref<1x32x1024xf32, #tpu.memory_space<hbm>> -> memref<32x1024xf32, #tpu.memory_space<hbm>>
    %dma_start3A_315 = arith.constant 0 : i32
    %dma_start3A_316 = tpu.memref_slice %arg3[%dma_start3A_311, %add3A_296, %dma_start3A_315] : memref<4x8192x1024xf32, #tpu.memory_space<hbm>> -> memref<1x32x1024xf32, #tpu.memory_space<hbm>>
    %dma_start3A_317 = tpu.memref_squeeze %dma_start3A_316 : memref<1x32x1024xf32, #tpu.memory_space<hbm>> -> memref<32x1024xf32, #tpu.memory_space<hbm>>
    tpu.enqueue_dma source(%arg6 : memref<32x1024xf32, #tpu.memory_space<vmem>>) target(%dma_start3A_317 : memref<32x1024xf32, #tpu.memory_space<hbm>>) target_semaphore(%arg10 : memref<!tpu.dma_semaphore, #tpu.memory_space<semaphore_mem>>)
    %dma_start3A_318 = arith.constant 3 : i32
    %dma_start3A_319 = arith.constant 0 : i32
    %dma_start3A_320 = tpu.memref_slice %arg3[%dma_start3A_318, %add3A_296, %dma_start3A_319] : memref<4x8192x1024xf32, #tpu.memory_space<hbm>> -> memref<1x32x1024xf32, #tpu.memory_space<hbm>>
    %dma_start3A_321 = tpu.memref_squeeze %dma_start3A_320 : memref<1x32x1024xf32, #tpu.memory_space<hbm>> -> memref<32x1024xf32, #tpu.memory_space<hbm>>
    %dma_start3A_322 = arith.constant 0 : i32
    %dma_start3A_323 = tpu.memref_slice %arg3[%dma_start3A_318, %add3A_296, %dma_start3A_322] : memref<4x8192x1024xf32, #tpu.memory_space<hbm>> -> memref<1x32x1024xf32, #tpu.memory_space<hbm>>
    %dma_start3A_324 = tpu.memref_squeeze %dma_start3A_323 : memref<1x32x1024xf32, #tpu.memory_space<hbm>> -> memref<32x1024xf32, #tpu.memory_space<hbm>>
    tpu.enqueue_dma source(%arg6 : memref<32x1024xf32, #tpu.memory_space<vmem>>) target(%dma_start3A_324 : memref<32x1024xf32, #tpu.memory_space<hbm>>) target_semaphore(%arg10 : memref<!tpu.dma_semaphore, #tpu.memory_space<semaphore_mem>>)
    %dma_wait3A_325 = arith.constant 0 : i32
    %dma_wait3A_326 = arith.constant 0 : i32
    %dma_wait3A_327 = tpu.memref_slice %arg3[%dma_wait3A_325, %add3A_160, %dma_wait3A_326] : memref<4x8192x1024xf32, #tpu.memory_space<hbm>> -> memref<1x32x1024xf32, #tpu.memory_space<hbm>>
    %dma_wait3A_328 = tpu.memref_squeeze %dma_wait3A_327 : memref<1x32x1024xf32, #tpu.memory_space<hbm>> -> memref<32x1024xf32, #tpu.memory_space<hbm>>
    %dma_wait3A_329 = arith.constant 0 : i32
    %dma_wait3A_330 = tpu.memref_slice %arg3[%dma_wait3A_325, %add3A_160, %dma_wait3A_329] : memref<4x8192x1024xf32, #tpu.memory_space<hbm>> -> memref<1x32x1024xf32, #tpu.memory_space<hbm>>
    %dma_wait3A_331 = tpu.memref_squeeze %dma_wait3A_330 : memref<1x32x1024xf32, #tpu.memory_space<hbm>> -> memref<32x1024xf32, #tpu.memory_space<hbm>>
    tpu.wait_dma2 semaphore(%arg8 : memref<!tpu.dma_semaphore, #tpu.memory_space<semaphore_mem>>) src(%arg4 : memref<32x1024xf32, #tpu.memory_space<vmem>>) dst(%dma_wait3A_331 : memref<32x1024xf32, #tpu.memory_space<hbm>>)
    %dma_wait3A_332 = arith.constant 1 : i32
    %dma_wait3A_333 = arith.constant 0 : i32
    %dma_wait3A_334 = tpu.memref_slice %arg3[%dma_wait3A_332, %add3A_160, %dma_wait3A_333] : memref<4x8192x1024xf32, #tpu.memory_space<hbm>> -> memref<1x32x1024xf32, #tpu.memory_space<hbm>>
    %dma_wait3A_335 = tpu.memref_squeeze %dma_wait3A_334 : memref<1x32x1024xf32, #tpu.memory_space<hbm>> -> memref<32x1024xf32, #tpu.memory_space<hbm>>
    %dma_wait3A_336 = arith.constant 0 : i32
    %dma_wait3A_337 = tpu.memref_slice %arg3[%dma_wait3A_332, %add3A_160, %dma_wait3A_336] : memref<4x8192x1024xf32, #tpu.memory_space<hbm>> -> memref<1x32x1024xf32, #tpu.memory_space<hbm>>
    %dma_wait3A_338 = tpu.memref_squeeze %dma_wait3A_337 : memref<1x32x1024xf32, #tpu.memory_space<hbm>> -> memref<32x1024xf32, #tpu.memory_space<hbm>>
    tpu.wait_dma2 semaphore(%arg8 : memref<!tpu.dma_semaphore, #tpu.memory_space<semaphore_mem>>) src(%arg4 : memref<32x1024xf32, #tpu.memory_space<vmem>>) dst(%dma_wait3A_338 : memref<32x1024xf32, #tpu.memory_space<hbm>>)
    %dma_wait3A_339 = arith.constant 2 : i32
    %dma_wait3A_340 = arith.constant 0 : i32
    %dma_wait3A_341 = tpu.memref_slice %arg3[%dma_wait3A_339, %add3A_160, %dma_wait3A_340] : memref<4x8192x1024xf32, #tpu.memory_space<hbm>> -> memref<1x32x1024xf32, #tpu.memory_space<hbm>>
    %dma_wait3A_342 = tpu.memref_squeeze %dma_wait3A_341 : memref<1x32x1024xf32, #tpu.memory_space<hbm>> -> memref<32x1024xf32, #tpu.memory_space<hbm>>
    %dma_wait3A_343 = arith.constant 0 : i32
    %dma_wait3A_344 = tpu.memref_slice %arg3[%dma_wait3A_339, %add3A_160, %dma_wait3A_343] : memref<4x8192x1024xf32, #tpu.memory_space<hbm>> -> memref<1x32x1024xf32, #tpu.memory_space<hbm>>
    %dma_wait3A_345 = tpu.memref_squeeze %dma_wait3A_344 : memref<1x32x1024xf32, #tpu.memory_space<hbm>> -> memref<32x1024xf32, #tpu.memory_space<hbm>>
    tpu.wait_dma2 semaphore(%arg8 : memref<!tpu.dma_semaphore, #tpu.memory_space<semaphore_mem>>) src(%arg4 : memref<32x1024xf32, #tpu.memory_space<vmem>>) dst(%dma_wait3A_345 : memref<32x1024xf32, #tpu.memory_space<hbm>>)
    %dma_wait3A_346 = arith.constant 3 : i32
    %dma_wait3A_347 = arith.constant 0 : i32
    %dma_wait3A_348 = tpu.memref_slice %arg3[%dma_wait3A_346, %add3A_160, %dma_wait3A_347] : memref<4x8192x1024xf32, #tpu.memory_space<hbm>> -> memref<1x32x1024xf32, #tpu.memory_space<hbm>>
    %dma_wait3A_349 = tpu.memref_squeeze %dma_wait3A_348 : memref<1x32x1024xf32, #tpu.memory_space<hbm>> -> memref<32x1024xf32, #tpu.memory_space<hbm>>
    %dma_wait3A_350 = arith.constant 0 : i32
    %dma_wait3A_351 = tpu.memref_slice %arg3[%dma_wait3A_346, %add3A_160, %dma_wait3A_350] : memref<4x8192x1024xf32, #tpu.memory_space<hbm>> -> memref<1x32x1024xf32, #tpu.memory_space<hbm>>
    %dma_wait3A_352 = tpu.memref_squeeze %dma_wait3A_351 : memref<1x32x1024xf32, #tpu.memory_space<hbm>> -> memref<32x1024xf32, #tpu.memory_space<hbm>>
    tpu.wait_dma2 semaphore(%arg8 : memref<!tpu.dma_semaphore, #tpu.memory_space<semaphore_mem>>) src(%arg4 : memref<32x1024xf32, #tpu.memory_space<vmem>>) dst(%dma_wait3A_352 : memref<32x1024xf32, #tpu.memory_space<hbm>>)
    %add3A_353 = arith.constant 192 : i32
    %add3A_354 = arith.addi %mul3A_2, %add3A_353 : i32
    %dma_start3A_355 = arith.constant 0 : i32
    %dma_start3A_356 = tpu.memref_slice %arg2[%add3A_354, %dma_start3A_355] : memref<8192x1024xf32, #tpu.memory_space<hbm>> -> memref<32x1024xf32, #tpu.memory_space<hbm>>
    %dma_start3A_357 = arith.constant 0 : i32
    %dma_start3A_358 = tpu.memref_slice %arg2[%add3A_354, %dma_start3A_357] : memref<8192x1024xf32, #tpu.memory_space<hbm>> -> memref<32x1024xf32, #tpu.memory_space<hbm>>
    tpu.enqueue_dma source(%dma_start3A_358 : memref<32x1024xf32, #tpu.memory_space<hbm>>) target(%arg4 : memref<32x1024xf32, #tpu.memory_space<vmem>>) target_semaphore(%arg7 : memref<!tpu.dma_semaphore, #tpu.memory_space<semaphore_mem>>)
    %dma_wait3A_359 = arith.constant 0 : i32
    %dma_wait3A_360 = tpu.memref_slice %arg2[%add3A_354, %dma_wait3A_359] : memref<8192x1024xf32, #tpu.memory_space<hbm>> -> memref<32x1024xf32, #tpu.memory_space<hbm>>
    %dma_wait3A_361 = arith.constant 0 : i32
    %dma_wait3A_362 = tpu.memref_slice %arg2[%add3A_354, %dma_wait3A_361] : memref<8192x1024xf32, #tpu.memory_space<hbm>> -> memref<32x1024xf32, #tpu.memory_space<hbm>>
    tpu.wait_dma2 semaphore(%arg7 : memref<!tpu.dma_semaphore, #tpu.memory_space<semaphore_mem>>) src(%dma_wait3A_362 : memref<32x1024xf32, #tpu.memory_space<hbm>>) dst(%arg4 : memref<32x1024xf32, #tpu.memory_space<vmem>>)
    %add3A_363 = arith.constant 192 : i32
    %add3A_364 = arith.addi %mul3A_2, %add3A_363 : i32
    %dma_start3A_365 = arith.constant 0 : i32
    %dma_start3A_366 = arith.constant 0 : i32
    %dma_start3A_367 = tpu.memref_slice %arg3[%dma_start3A_365, %add3A_364, %dma_start3A_366] : memref<4x8192x1024xf32, #tpu.memory_space<hbm>> -> memref<1x32x1024xf32, #tpu.memory_space<hbm>>
    %dma_start3A_368 = tpu.memref_squeeze %dma_start3A_367 : memref<1x32x1024xf32, #tpu.memory_space<hbm>> -> memref<32x1024xf32, #tpu.memory_space<hbm>>
    %dma_start3A_369 = arith.constant 0 : i32
    %dma_start3A_370 = tpu.memref_slice %arg3[%dma_start3A_365, %add3A_364, %dma_start3A_369] : memref<4x8192x1024xf32, #tpu.memory_space<hbm>> -> memref<1x32x1024xf32, #tpu.memory_space<hbm>>
    %dma_start3A_371 = tpu.memref_squeeze %dma_start3A_370 : memref<1x32x1024xf32, #tpu.memory_space<hbm>> -> memref<32x1024xf32, #tpu.memory_space<hbm>>
    tpu.enqueue_dma source(%arg4 : memref<32x1024xf32, #tpu.memory_space<vmem>>) target(%dma_start3A_371 : memref<32x1024xf32, #tpu.memory_space<hbm>>) target_semaphore(%arg8 : memref<!tpu.dma_semaphore, #tpu.memory_space<semaphore_mem>>)
    %dma_start3A_372 = arith.constant 1 : i32
    %dma_start3A_373 = arith.constant 0 : i32
    %dma_start3A_374 = tpu.memref_slice %arg3[%dma_start3A_372, %add3A_364, %dma_start3A_373] : memref<4x8192x1024xf32, #tpu.memory_space<hbm>> -> memref<1x32x1024xf32, #tpu.memory_space<hbm>>
    %dma_start3A_375 = tpu.memref_squeeze %dma_start3A_374 : memref<1x32x1024xf32, #tpu.memory_space<hbm>> -> memref<32x1024xf32, #tpu.memory_space<hbm>>
    %dma_start3A_376 = arith.constant 0 : i32
    %dma_start3A_377 = tpu.memref_slice %arg3[%dma_start3A_372, %add3A_364, %dma_start3A_376] : memref<4x8192x1024xf32, #tpu.memory_space<hbm>> -> memref<1x32x1024xf32, #tpu.memory_space<hbm>>
    %dma_start3A_378 = tpu.memref_squeeze %dma_start3A_377 : memref<1x32x1024xf32, #tpu.memory_space<hbm>> -> memref<32x1024xf32, #tpu.memory_space<hbm>>
    tpu.enqueue_dma source(%arg4 : memref<32x1024xf32, #tpu.memory_space<vmem>>) target(%dma_start3A_378 : memref<32x1024xf32, #tpu.memory_space<hbm>>) target_semaphore(%arg8 : memref<!tpu.dma_semaphore, #tpu.memory_space<semaphore_mem>>)
    %dma_start3A_379 = arith.constant 2 : i32
    %dma_start3A_380 = arith.constant 0 : i32
    %dma_start3A_381 = tpu.memref_slice %arg3[%dma_start3A_379, %add3A_364, %dma_start3A_380] : memref<4x8192x1024xf32, #tpu.memory_space<hbm>> -> memref<1x32x1024xf32, #tpu.memory_space<hbm>>
    %dma_start3A_382 = tpu.memref_squeeze %dma_start3A_381 : memref<1x32x1024xf32, #tpu.memory_space<hbm>> -> memref<32x1024xf32, #tpu.memory_space<hbm>>
    %dma_start3A_383 = arith.constant 0 : i32
    %dma_start3A_384 = tpu.memref_slice %arg3[%dma_start3A_379, %add3A_364, %dma_start3A_383] : memref<4x8192x1024xf32, #tpu.memory_space<hbm>> -> memref<1x32x1024xf32, #tpu.memory_space<hbm>>
    %dma_start3A_385 = tpu.memref_squeeze %dma_start3A_384 : memref<1x32x1024xf32, #tpu.memory_space<hbm>> -> memref<32x1024xf32, #tpu.memory_space<hbm>>
    tpu.enqueue_dma source(%arg4 : memref<32x1024xf32, #tpu.memory_space<vmem>>) target(%dma_start3A_385 : memref<32x1024xf32, #tpu.memory_space<hbm>>) target_semaphore(%arg8 : memref<!tpu.dma_semaphore, #tpu.memory_space<semaphore_mem>>)
    %dma_start3A_386 = arith.constant 3 : i32
    %dma_start3A_387 = arith.constant 0 : i32
    %dma_start3A_388 = tpu.memref_slice %arg3[%dma_start3A_386, %add3A_364, %dma_start3A_387] : memref<4x8192x1024xf32, #tpu.memory_space<hbm>> -> memref<1x32x1024xf32, #tpu.memory_space<hbm>>
    %dma_start3A_389 = tpu.memref_squeeze %dma_start3A_388 : memref<1x32x1024xf32, #tpu.memory_space<hbm>> -> memref<32x1024xf32, #tpu.memory_space<hbm>>
    %dma_start3A_390 = arith.constant 0 : i32
    %dma_start3A_391 = tpu.memref_slice %arg3[%dma_start3A_386, %add3A_364, %dma_start3A_390] : memref<4x8192x1024xf32, #tpu.memory_space<hbm>> -> memref<1x32x1024xf32, #tpu.memory_space<hbm>>
    %dma_start3A_392 = tpu.memref_squeeze %dma_start3A_391 : memref<1x32x1024xf32, #tpu.memory_space<hbm>> -> memref<32x1024xf32, #tpu.memory_space<hbm>>
    tpu.enqueue_dma source(%arg4 : memref<32x1024xf32, #tpu.memory_space<vmem>>) target(%dma_start3A_392 : memref<32x1024xf32, #tpu.memory_space<hbm>>) target_semaphore(%arg8 : memref<!tpu.dma_semaphore, #tpu.memory_space<semaphore_mem>>)
    %dma_wait3A_393 = arith.constant 0 : i32
    %dma_wait3A_394 = arith.constant 0 : i32
    %dma_wait3A_395 = tpu.memref_slice %arg3[%dma_wait3A_393, %add3A_228, %dma_wait3A_394] : memref<4x8192x1024xf32, #tpu.memory_space<hbm>> -> memref<1x32x1024xf32, #tpu.memory_space<hbm>>
    %dma_wait3A_396 = tpu.memref_squeeze %dma_wait3A_395 : memref<1x32x1024xf32, #tpu.memory_space<hbm>> -> memref<32x1024xf32, #tpu.memory_space<hbm>>
    %dma_wait3A_397 = arith.constant 0 : i32
    %dma_wait3A_398 = tpu.memref_slice %arg3[%dma_wait3A_393, %add3A_228, %dma_wait3A_397] : memref<4x8192x1024xf32, #tpu.memory_space<hbm>> -> memref<1x32x1024xf32, #tpu.memory_space<hbm>>
    %dma_wait3A_399 = tpu.memref_squeeze %dma_wait3A_398 : memref<1x32x1024xf32, #tpu.memory_space<hbm>> -> memref<32x1024xf32, #tpu.memory_space<hbm>>
    tpu.wait_dma2 semaphore(%arg9 : memref<!tpu.dma_semaphore, #tpu.memory_space<semaphore_mem>>) src(%arg5 : memref<32x1024xf32, #tpu.memory_space<vmem>>) dst(%dma_wait3A_399 : memref<32x1024xf32, #tpu.memory_space<hbm>>)
    %dma_wait3A_400 = arith.constant 1 : i32
    %dma_wait3A_401 = arith.constant 0 : i32
    %dma_wait3A_402 = tpu.memref_slice %arg3[%dma_wait3A_400, %add3A_228, %dma_wait3A_401] : memref<4x8192x1024xf32, #tpu.memory_space<hbm>> -> memref<1x32x1024xf32, #tpu.memory_space<hbm>>
    %dma_wait3A_403 = tpu.memref_squeeze %dma_wait3A_402 : memref<1x32x1024xf32, #tpu.memory_space<hbm>> -> memref<32x1024xf32, #tpu.memory_space<hbm>>
    %dma_wait3A_404 = arith.constant 0 : i32
    %dma_wait3A_405 = tpu.memref_slice %arg3[%dma_wait3A_400, %add3A_228, %dma_wait3A_404] : memref<4x8192x1024xf32, #tpu.memory_space<hbm>> -> memref<1x32x1024xf32, #tpu.memory_space<hbm>>
    %dma_wait3A_406 = tpu.memref_squeeze %dma_wait3A_405 : memref<1x32x1024xf32, #tpu.memory_space<hbm>> -> memref<32x1024xf32, #tpu.memory_space<hbm>>
    tpu.wait_dma2 semaphore(%arg9 : memref<!tpu.dma_semaphore, #tpu.memory_space<semaphore_mem>>) src(%arg5 : memref<32x1024xf32, #tpu.memory_space<vmem>>) dst(%dma_wait3A_406 : memref<32x1024xf32, #tpu.memory_space<hbm>>)
    %dma_wait3A_407 = arith.constant 2 : i32
    %dma_wait3A_408 = arith.constant 0 : i32
    %dma_wait3A_409 = tpu.memref_slice %arg3[%dma_wait3A_407, %add3A_228, %dma_wait3A_408] : memref<4x8192x1024xf32, #tpu.memory_space<hbm>> -> memref<1x32x1024xf32, #tpu.memory_space<hbm>>
    %dma_wait3A_410 = tpu.memref_squeeze %dma_wait3A_409 : memref<1x32x1024xf32, #tpu.memory_space<hbm>> -> memref<32x1024xf32, #tpu.memory_space<hbm>>
    %dma_wait3A_411 = arith.constant 0 : i32
    %dma_wait3A_412 = tpu.memref_slice %arg3[%dma_wait3A_407, %add3A_228, %dma_wait3A_411] : memref<4x8192x1024xf32, #tpu.memory_space<hbm>> -> memref<1x32x1024xf32, #tpu.memory_space<hbm>>
    %dma_wait3A_413 = tpu.memref_squeeze %dma_wait3A_412 : memref<1x32x1024xf32, #tpu.memory_space<hbm>> -> memref<32x1024xf32, #tpu.memory_space<hbm>>
    tpu.wait_dma2 semaphore(%arg9 : memref<!tpu.dma_semaphore, #tpu.memory_space<semaphore_mem>>) src(%arg5 : memref<32x1024xf32, #tpu.memory_space<vmem>>) dst(%dma_wait3A_413 : memref<32x1024xf32, #tpu.memory_space<hbm>>)
    %dma_wait3A_414 = arith.constant 3 : i32
    %dma_wait3A_415 = arith.constant 0 : i32
    %dma_wait3A_416 = tpu.memref_slice %arg3[%dma_wait3A_414, %add3A_228, %dma_wait3A_415] : memref<4x8192x1024xf32, #tpu.memory_space<hbm>> -> memref<1x32x1024xf32, #tpu.memory_space<hbm>>
    %dma_wait3A_417 = tpu.memref_squeeze %dma_wait3A_416 : memref<1x32x1024xf32, #tpu.memory_space<hbm>> -> memref<32x1024xf32, #tpu.memory_space<hbm>>
    %dma_wait3A_418 = arith.constant 0 : i32
    %dma_wait3A_419 = tpu.memref_slice %arg3[%dma_wait3A_414, %add3A_228, %dma_wait3A_418] : memref<4x8192x1024xf32, #tpu.memory_space<hbm>> -> memref<1x32x1024xf32, #tpu.memory_space<hbm>>
    %dma_wait3A_420 = tpu.memref_squeeze %dma_wait3A_419 : memref<1x32x1024xf32, #tpu.memory_space<hbm>> -> memref<32x1024xf32, #tpu.memory_space<hbm>>
    tpu.wait_dma2 semaphore(%arg9 : memref<!tpu.dma_semaphore, #tpu.memory_space<semaphore_mem>>) src(%arg5 : memref<32x1024xf32, #tpu.memory_space<vmem>>) dst(%dma_wait3A_420 : memref<32x1024xf32, #tpu.memory_space<hbm>>)
    %add3A_421 = arith.constant 224 : i32
    %add3A_422 = arith.addi %mul3A_2, %add3A_421 : i32
    %dma_start3A_423 = arith.constant 0 : i32
    %dma_start3A_424 = tpu.memref_slice %arg2[%add3A_422, %dma_start3A_423] : memref<8192x1024xf32, #tpu.memory_space<hbm>> -> memref<32x1024xf32, #tpu.memory_space<hbm>>
    %dma_start3A_425 = arith.constant 0 : i32
    %dma_start3A_426 = tpu.memref_slice %arg2[%add3A_422, %dma_start3A_425] : memref<8192x1024xf32, #tpu.memory_space<hbm>> -> memref<32x1024xf32, #tpu.memory_space<hbm>>
    tpu.enqueue_dma source(%dma_start3A_426 : memref<32x1024xf32, #tpu.memory_space<hbm>>) target(%arg5 : memref<32x1024xf32, #tpu.memory_space<vmem>>) target_semaphore(%arg7 : memref<!tpu.dma_semaphore, #tpu.memory_space<semaphore_mem>>)
    %dma_wait3A_427 = arith.constant 0 : i32
    %dma_wait3A_428 = tpu.memref_slice %arg2[%add3A_422, %dma_wait3A_427] : memref<8192x1024xf32, #tpu.memory_space<hbm>> -> memref<32x1024xf32, #tpu.memory_space<hbm>>
    %dma_wait3A_429 = arith.constant 0 : i32
    %dma_wait3A_430 = tpu.memref_slice %arg2[%add3A_422, %dma_wait3A_429] : memref<8192x1024xf32, #tpu.memory_space<hbm>> -> memref<32x1024xf32, #tpu.memory_space<hbm>>
    tpu.wait_dma2 semaphore(%arg7 : memref<!tpu.dma_semaphore, #tpu.memory_space<semaphore_mem>>) src(%dma_wait3A_430 : memref<32x1024xf32, #tpu.memory_space<hbm>>) dst(%arg5 : memref<32x1024xf32, #tpu.memory_space<vmem>>)
    %add3A_431 = arith.constant 224 : i32
    %add3A_432 = arith.addi %mul3A_2, %add3A_431 : i32
    %dma_start3A_433 = arith.constant 0 : i32
    %dma_start3A_434 = arith.constant 0 : i32
    %dma_start3A_435 = tpu.memref_slice %arg3[%dma_start3A_433, %add3A_432, %dma_start3A_434] : memref<4x8192x1024xf32, #tpu.memory_space<hbm>> -> memref<1x32x1024xf32, #tpu.memory_space<hbm>>
    %dma_start3A_436 = tpu.memref_squeeze %dma_start3A_435 : memref<1x32x1024xf32, #tpu.memory_space<hbm>> -> memref<32x1024xf32, #tpu.memory_space<hbm>>
    %dma_start3A_437 = arith.constant 0 : i32
    %dma_start3A_438 = tpu.memref_slice %arg3[%dma_start3A_433, %add3A_432, %dma_start3A_437] : memref<4x8192x1024xf32, #tpu.memory_space<hbm>> -> memref<1x32x1024xf32, #tpu.memory_space<hbm>>
    %dma_start3A_439 = tpu.memref_squeeze %dma_start3A_438 : memref<1x32x1024xf32, #tpu.memory_space<hbm>> -> memref<32x1024xf32, #tpu.memory_space<hbm>>
    tpu.enqueue_dma source(%arg5 : memref<32x1024xf32, #tpu.memory_space<vmem>>) target(%dma_start3A_439 : memref<32x1024xf32, #tpu.memory_space<hbm>>) target_semaphore(%arg9 : memref<!tpu.dma_semaphore, #tpu.memory_space<semaphore_mem>>)
    %dma_start3A_440 = arith.constant 1 : i32
    %dma_start3A_441 = arith.constant 0 : i32
    %dma_start3A_442 = tpu.memref_slice %arg3[%dma_start3A_440, %add3A_432, %dma_start3A_441] : memref<4x8192x1024xf32, #tpu.memory_space<hbm>> -> memref<1x32x1024xf32, #tpu.memory_space<hbm>>
    %dma_start3A_443 = tpu.memref_squeeze %dma_start3A_442 : memref<1x32x1024xf32, #tpu.memory_space<hbm>> -> memref<32x1024xf32, #tpu.memory_space<hbm>>
    %dma_start3A_444 = arith.constant 0 : i32
    %dma_start3A_445 = tpu.memref_slice %arg3[%dma_start3A_440, %add3A_432, %dma_start3A_444] : memref<4x8192x1024xf32, #tpu.memory_space<hbm>> -> memref<1x32x1024xf32, #tpu.memory_space<hbm>>
    %dma_start3A_446 = tpu.memref_squeeze %dma_start3A_445 : memref<1x32x1024xf32, #tpu.memory_space<hbm>> -> memref<32x1024xf32, #tpu.memory_space<hbm>>
    tpu.enqueue_dma source(%arg5 : memref<32x1024xf32, #tpu.memory_space<vmem>>) target(%dma_start3A_446 : memref<32x1024xf32, #tpu.memory_space<hbm>>) target_semaphore(%arg9 : memref<!tpu.dma_semaphore, #tpu.memory_space<semaphore_mem>>)
    %dma_start3A_447 = arith.constant 2 : i32
    %dma_start3A_448 = arith.constant 0 : i32
    %dma_start3A_449 = tpu.memref_slice %arg3[%dma_start3A_447, %add3A_432, %dma_start3A_448] : memref<4x8192x1024xf32, #tpu.memory_space<hbm>> -> memref<1x32x1024xf32, #tpu.memory_space<hbm>>
    %dma_start3A_450 = tpu.memref_squeeze %dma_start3A_449 : memref<1x32x1024xf32, #tpu.memory_space<hbm>> -> memref<32x1024xf32, #tpu.memory_space<hbm>>
    %dma_start3A_451 = arith.constant 0 : i32
    %dma_start3A_452 = tpu.memref_slice %arg3[%dma_start3A_447, %add3A_432, %dma_start3A_451] : memref<4x8192x1024xf32, #tpu.memory_space<hbm>> -> memref<1x32x1024xf32, #tpu.memory_space<hbm>>
    %dma_start3A_453 = tpu.memref_squeeze %dma_start3A_452 : memref<1x32x1024xf32, #tpu.memory_space<hbm>> -> memref<32x1024xf32, #tpu.memory_space<hbm>>
    tpu.enqueue_dma source(%arg5 : memref<32x1024xf32, #tpu.memory_space<vmem>>) target(%dma_start3A_453 : memref<32x1024xf32, #tpu.memory_space<hbm>>) target_semaphore(%arg9 : memref<!tpu.dma_semaphore, #tpu.memory_space<semaphore_mem>>)
    %dma_start3A_454 = arith.constant 3 : i32
    %dma_start3A_455 = arith.constant 0 : i32
    %dma_start3A_456 = tpu.memref_slice %arg3[%dma_start3A_454, %add3A_432, %dma_start3A_455] : memref<4x8192x1024xf32, #tpu.memory_space<hbm>> -> memref<1x32x1024xf32, #tpu.memory_space<hbm>>
    %dma_start3A_457 = tpu.memref_squeeze %dma_start3A_456 : memref<1x32x1024xf32, #tpu.memory_space<hbm>> -> memref<32x1024xf32, #tpu.memory_space<hbm>>
    %dma_start3A_458 = arith.constant 0 : i32
    %dma_start3A_459 = tpu.memref_slice %arg3[%dma_start3A_454, %add3A_432, %dma_start3A_458] : memref<4x8192x1024xf32, #tpu.memory_space<hbm>> -> memref<1x32x1024xf32, #tpu.memory_space<hbm>>
    %dma_start3A_460 = tpu.memref_squeeze %dma_start3A_459 : memref<1x32x1024xf32, #tpu.memory_space<hbm>> -> memref<32x1024xf32, #tpu.memory_space<hbm>>
    tpu.enqueue_dma source(%arg5 : memref<32x1024xf32, #tpu.memory_space<vmem>>) target(%dma_start3A_460 : memref<32x1024xf32, #tpu.memory_space<hbm>>) target_semaphore(%arg9 : memref<!tpu.dma_semaphore, #tpu.memory_space<semaphore_mem>>)
    %dma_wait3A_461 = arith.constant 0 : i32
    %dma_wait3A_462 = arith.constant 0 : i32
    %dma_wait3A_463 = tpu.memref_slice %arg3[%dma_wait3A_461, %add3A_296, %dma_wait3A_462] : memref<4x8192x1024xf32, #tpu.memory_space<hbm>> -> memref<1x32x1024xf32, #tpu.memory_space<hbm>>
    %dma_wait3A_464 = tpu.memref_squeeze %dma_wait3A_463 : memref<1x32x1024xf32, #tpu.memory_space<hbm>> -> memref<32x1024xf32, #tpu.memory_space<hbm>>
    %dma_wait3A_465 = arith.constant 0 : i32
    %dma_wait3A_466 = tpu.memref_slice %arg3[%dma_wait3A_461, %add3A_296, %dma_wait3A_465] : memref<4x8192x1024xf32, #tpu.memory_space<hbm>> -> memref<1x32x1024xf32, #tpu.memory_space<hbm>>
    %dma_wait3A_467 = tpu.memref_squeeze %dma_wait3A_466 : memref<1x32x1024xf32, #tpu.memory_space<hbm>> -> memref<32x1024xf32, #tpu.memory_space<hbm>>
    tpu.wait_dma2 semaphore(%arg10 : memref<!tpu.dma_semaphore, #tpu.memory_space<semaphore_mem>>) src(%arg6 : memref<32x1024xf32, #tpu.memory_space<vmem>>) dst(%dma_wait3A_467 : memref<32x1024xf32, #tpu.memory_space<hbm>>)
    %dma_wait3A_468 = arith.constant 1 : i32
    %dma_wait3A_469 = arith.constant 0 : i32
    %dma_wait3A_470 = tpu.memref_slice %arg3[%dma_wait3A_468, %add3A_296, %dma_wait3A_469] : memref<4x8192x1024xf32, #tpu.memory_space<hbm>> -> memref<1x32x1024xf32, #tpu.memory_space<hbm>>
    %dma_wait3A_471 = tpu.memref_squeeze %dma_wait3A_470 : memref<1x32x1024xf32, #tpu.memory_space<hbm>> -> memref<32x1024xf32, #tpu.memory_space<hbm>>
    %dma_wait3A_472 = arith.constant 0 : i32
    %dma_wait3A_473 = tpu.memref_slice %arg3[%dma_wait3A_468, %add3A_296, %dma_wait3A_472] : memref<4x8192x1024xf32, #tpu.memory_space<hbm>> -> memref<1x32x1024xf32, #tpu.memory_space<hbm>>
    %dma_wait3A_474 = tpu.memref_squeeze %dma_wait3A_473 : memref<1x32x1024xf32, #tpu.memory_space<hbm>> -> memref<32x1024xf32, #tpu.memory_space<hbm>>
    tpu.wait_dma2 semaphore(%arg10 : memref<!tpu.dma_semaphore, #tpu.memory_space<semaphore_mem>>) src(%arg6 : memref<32x1024xf32, #tpu.memory_space<vmem>>) dst(%dma_wait3A_474 : memref<32x1024xf32, #tpu.memory_space<hbm>>)
    %dma_wait3A_475 = arith.constant 2 : i32
    %dma_wait3A_476 = arith.constant 0 : i32
    %dma_wait3A_477 = tpu.memref_slice %arg3[%dma_wait3A_475, %add3A_296, %dma_wait3A_476] : memref<4x8192x1024xf32, #tpu.memory_space<hbm>> -> memref<1x32x1024xf32, #tpu.memory_space<hbm>>
    %dma_wait3A_478 = tpu.memref_squeeze %dma_wait3A_477 : memref<1x32x1024xf32, #tpu.memory_space<hbm>> -> memref<32x1024xf32, #tpu.memory_space<hbm>>
    %dma_wait3A_479 = arith.constant 0 : i32
    %dma_wait3A_480 = tpu.memref_slice %arg3[%dma_wait3A_475, %add3A_296, %dma_wait3A_479] : memref<4x8192x1024xf32, #tpu.memory_space<hbm>> -> memref<1x32x1024xf32, #tpu.memory_space<hbm>>
    %dma_wait3A_481 = tpu.memref_squeeze %dma_wait3A_480 : memref<1x32x1024xf32, #tpu.memory_space<hbm>> -> memref<32x1024xf32, #tpu.memory_space<hbm>>
    tpu.wait_dma2 semaphore(%arg10 : memref<!tpu.dma_semaphore, #tpu.memory_space<semaphore_mem>>) src(%arg6 : memref<32x1024xf32, #tpu.memory_space<vmem>>) dst(%dma_wait3A_481 : memref<32x1024xf32, #tpu.memory_space<hbm>>)
    %dma_wait3A_482 = arith.constant 3 : i32
    %dma_wait3A_483 = arith.constant 0 : i32
    %dma_wait3A_484 = tpu.memref_slice %arg3[%dma_wait3A_482, %add3A_296, %dma_wait3A_483] : memref<4x8192x1024xf32, #tpu.memory_space<hbm>> -> memref<1x32x1024xf32, #tpu.memory_space<hbm>>
    %dma_wait3A_485 = tpu.memref_squeeze %dma_wait3A_484 : memref<1x32x1024xf32, #tpu.memory_space<hbm>> -> memref<32x1024xf32, #tpu.memory_space<hbm>>
    %dma_wait3A_486 = arith.constant 0 : i32
    %dma_wait3A_487 = tpu.memref_slice %arg3[%dma_wait3A_482, %add3A_296, %dma_wait3A_486] : memref<4x8192x1024xf32, #tpu.memory_space<hbm>> -> memref<1x32x1024xf32, #tpu.memory_space<hbm>>
    %dma_wait3A_488 = tpu.memref_squeeze %dma_wait3A_487 : memref<1x32x1024xf32, #tpu.memory_space<hbm>> -> memref<32x1024xf32, #tpu.memory_space<hbm>>
    tpu.wait_dma2 semaphore(%arg10 : memref<!tpu.dma_semaphore, #tpu.memory_space<semaphore_mem>>) src(%arg6 : memref<32x1024xf32, #tpu.memory_space<vmem>>) dst(%dma_wait3A_488 : memref<32x1024xf32, #tpu.memory_space<hbm>>)
    %dma_wait3A_489 = arith.constant 0 : i32
    %dma_wait3A_490 = arith.constant 0 : i32
    %dma_wait3A_491 = tpu.memref_slice %arg3[%dma_wait3A_489, %add3A_364, %dma_wait3A_490] : memref<4x8192x1024xf32, #tpu.memory_space<hbm>> -> memref<1x32x1024xf32, #tpu.memory_space<hbm>>
    %dma_wait3A_492 = tpu.memref_squeeze %dma_wait3A_491 : memref<1x32x1024xf32, #tpu.memory_space<hbm>> -> memref<32x1024xf32, #tpu.memory_space<hbm>>
    %dma_wait3A_493 = arith.constant 0 : i32
    %dma_wait3A_494 = tpu.memref_slice %arg3[%dma_wait3A_489, %add3A_364, %dma_wait3A_493] : memref<4x8192x1024xf32, #tpu.memory_space<hbm>> -> memref<1x32x1024xf32, #tpu.memory_space<hbm>>
    %dma_wait3A_495 = tpu.memref_squeeze %dma_wait3A_494 : memref<1x32x1024xf32, #tpu.memory_space<hbm>> -> memref<32x1024xf32, #tpu.memory_space<hbm>>
    tpu.wait_dma2 semaphore(%arg8 : memref<!tpu.dma_semaphore, #tpu.memory_space<semaphore_mem>>) src(%arg4 : memref<32x1024xf32, #tpu.memory_space<vmem>>) dst(%dma_wait3A_495 : memref<32x1024xf32, #tpu.memory_space<hbm>>)
    %dma_wait3A_496 = arith.constant 1 : i32
    %dma_wait3A_497 = arith.constant 0 : i32
    %dma_wait3A_498 = tpu.memref_slice %arg3[%dma_wait3A_496, %add3A_364, %dma_wait3A_497] : memref<4x8192x1024xf32, #tpu.memory_space<hbm>> -> memref<1x32x1024xf32, #tpu.memory_space<hbm>>
    %dma_wait3A_499 = tpu.memref_squeeze %dma_wait3A_498 : memref<1x32x1024xf32, #tpu.memory_space<hbm>> -> memref<32x1024xf32, #tpu.memory_space<hbm>>
    %dma_wait3A_500 = arith.constant 0 : i32
    %dma_wait3A_501 = tpu.memref_slice %arg3[%dma_wait3A_496, %add3A_364, %dma_wait3A_500] : memref<4x8192x1024xf32, #tpu.memory_space<hbm>> -> memref<1x32x1024xf32, #tpu.memory_space<hbm>>
    %dma_wait3A_502 = tpu.memref_squeeze %dma_wait3A_501 : memref<1x32x1024xf32, #tpu.memory_space<hbm>> -> memref<32x1024xf32, #tpu.memory_space<hbm>>
    tpu.wait_dma2 semaphore(%arg8 : memref<!tpu.dma_semaphore, #tpu.memory_space<semaphore_mem>>) src(%arg4 : memref<32x1024xf32, #tpu.memory_space<vmem>>) dst(%dma_wait3A_502 : memref<32x1024xf32, #tpu.memory_space<hbm>>)
    %dma_wait3A_503 = arith.constant 2 : i32
    %dma_wait3A_504 = arith.constant 0 : i32
    %dma_wait3A_505 = tpu.memref_slice %arg3[%dma_wait3A_503, %add3A_364, %dma_wait3A_504] : memref<4x8192x1024xf32, #tpu.memory_space<hbm>> -> memref<1x32x1024xf32, #tpu.memory_space<hbm>>
    %dma_wait3A_506 = tpu.memref_squeeze %dma_wait3A_505 : memref<1x32x1024xf32, #tpu.memory_space<hbm>> -> memref<32x1024xf32, #tpu.memory_space<hbm>>
    %dma_wait3A_507 = arith.constant 0 : i32
    %dma_wait3A_508 = tpu.memref_slice %arg3[%dma_wait3A_503, %add3A_364, %dma_wait3A_507] : memref<4x8192x1024xf32, #tpu.memory_space<hbm>> -> memref<1x32x1024xf32, #tpu.memory_space<hbm>>
    %dma_wait3A_509 = tpu.memref_squeeze %dma_wait3A_508 : memref<1x32x1024xf32, #tpu.memory_space<hbm>> -> memref<32x1024xf32, #tpu.memory_space<hbm>>
    tpu.wait_dma2 semaphore(%arg8 : memref<!tpu.dma_semaphore, #tpu.memory_space<semaphore_mem>>) src(%arg4 : memref<32x1024xf32, #tpu.memory_space<vmem>>) dst(%dma_wait3A_509 : memref<32x1024xf32, #tpu.memory_space<hbm>>)
    %dma_wait3A_510 = arith.constant 3 : i32
    %dma_wait3A_511 = arith.constant 0 : i32
    %dma_wait3A_512 = tpu.memref_slice %arg3[%dma_wait3A_510, %add3A_364, %dma_wait3A_511] : memref<4x8192x1024xf32, #tpu.memory_space<hbm>> -> memref<1x32x1024xf32, #tpu.memory_space<hbm>>
    %dma_wait3A_513 = tpu.memref_squeeze %dma_wait3A_512 : memref<1x32x1024xf32, #tpu.memory_space<hbm>> -> memref<32x1024xf32, #tpu.memory_space<hbm>>
    %dma_wait3A_514 = arith.constant 0 : i32
    %dma_wait3A_515 = tpu.memref_slice %arg3[%dma_wait3A_510, %add3A_364, %dma_wait3A_514] : memref<4x8192x1024xf32, #tpu.memory_space<hbm>> -> memref<1x32x1024xf32, #tpu.memory_space<hbm>>
    %dma_wait3A_516 = tpu.memref_squeeze %dma_wait3A_515 : memref<1x32x1024xf32, #tpu.memory_space<hbm>> -> memref<32x1024xf32, #tpu.memory_space<hbm>>
    tpu.wait_dma2 semaphore(%arg8 : memref<!tpu.dma_semaphore, #tpu.memory_space<semaphore_mem>>) src(%arg4 : memref<32x1024xf32, #tpu.memory_space<vmem>>) dst(%dma_wait3A_516 : memref<32x1024xf32, #tpu.memory_space<hbm>>)
    %dma_wait3A_517 = arith.constant 0 : i32
    %dma_wait3A_518 = arith.constant 0 : i32
    %dma_wait3A_519 = tpu.memref_slice %arg3[%dma_wait3A_517, %add3A_432, %dma_wait3A_518] : memref<4x8192x1024xf32, #tpu.memory_space<hbm>> -> memref<1x32x1024xf32, #tpu.memory_space<hbm>>
    %dma_wait3A_520 = tpu.memref_squeeze %dma_wait3A_519 : memref<1x32x1024xf32, #tpu.memory_space<hbm>> -> memref<32x1024xf32, #tpu.memory_space<hbm>>
    %dma_wait3A_521 = arith.constant 0 : i32
    %dma_wait3A_522 = tpu.memref_slice %arg3[%dma_wait3A_517, %add3A_432, %dma_wait3A_521] : memref<4x8192x1024xf32, #tpu.memory_space<hbm>> -> memref<1x32x1024xf32, #tpu.memory_space<hbm>>
    %dma_wait3A_523 = tpu.memref_squeeze %dma_wait3A_522 : memref<1x32x1024xf32, #tpu.memory_space<hbm>> -> memref<32x1024xf32, #tpu.memory_space<hbm>>
    tpu.wait_dma2 semaphore(%arg9 : memref<!tpu.dma_semaphore, #tpu.memory_space<semaphore_mem>>) src(%arg5 : memref<32x1024xf32, #tpu.memory_space<vmem>>) dst(%dma_wait3A_523 : memref<32x1024xf32, #tpu.memory_space<hbm>>)
    %dma_wait3A_524 = arith.constant 1 : i32
    %dma_wait3A_525 = arith.constant 0 : i32
    %dma_wait3A_526 = tpu.memref_slice %arg3[%dma_wait3A_524, %add3A_432, %dma_wait3A_525] : memref<4x8192x1024xf32, #tpu.memory_space<hbm>> -> memref<1x32x1024xf32, #tpu.memory_space<hbm>>
    %dma_wait3A_527 = tpu.memref_squeeze %dma_wait3A_526 : memref<1x32x1024xf32, #tpu.memory_space<hbm>> -> memref<32x1024xf32, #tpu.memory_space<hbm>>
    %dma_wait3A_528 = arith.constant 0 : i32
    %dma_wait3A_529 = tpu.memref_slice %arg3[%dma_wait3A_524, %add3A_432, %dma_wait3A_528] : memref<4x8192x1024xf32, #tpu.memory_space<hbm>> -> memref<1x32x1024xf32, #tpu.memory_space<hbm>>
    %dma_wait3A_530 = tpu.memref_squeeze %dma_wait3A_529 : memref<1x32x1024xf32, #tpu.memory_space<hbm>> -> memref<32x1024xf32, #tpu.memory_space<hbm>>
    tpu.wait_dma2 semaphore(%arg9 : memref<!tpu.dma_semaphore, #tpu.memory_space<semaphore_mem>>) src(%arg5 : memref<32x1024xf32, #tpu.memory_space<vmem>>) dst(%dma_wait3A_530 : memref<32x1024xf32, #tpu.memory_space<hbm>>)
    %dma_wait3A_531 = arith.constant 2 : i32
    %dma_wait3A_532 = arith.constant 0 : i32
    %dma_wait3A_533 = tpu.memref_slice %arg3[%dma_wait3A_531, %add3A_432, %dma_wait3A_532] : memref<4x8192x1024xf32, #tpu.memory_space<hbm>> -> memref<1x32x1024xf32, #tpu.memory_space<hbm>>
    %dma_wait3A_534 = tpu.memref_squeeze %dma_wait3A_533 : memref<1x32x1024xf32, #tpu.memory_space<hbm>> -> memref<32x1024xf32, #tpu.memory_space<hbm>>
    %dma_wait3A_535 = arith.constant 0 : i32
    %dma_wait3A_536 = tpu.memref_slice %arg3[%dma_wait3A_531, %add3A_432, %dma_wait3A_535] : memref<4x8192x1024xf32, #tpu.memory_space<hbm>> -> memref<1x32x1024xf32, #tpu.memory_space<hbm>>
    %dma_wait3A_537 = tpu.memref_squeeze %dma_wait3A_536 : memref<1x32x1024xf32, #tpu.memory_space<hbm>> -> memref<32x1024xf32, #tpu.memory_space<hbm>>
    tpu.wait_dma2 semaphore(%arg9 : memref<!tpu.dma_semaphore, #tpu.memory_space<semaphore_mem>>) src(%arg5 : memref<32x1024xf32, #tpu.memory_space<vmem>>) dst(%dma_wait3A_537 : memref<32x1024xf32, #tpu.memory_space<hbm>>)
    %dma_wait3A_538 = arith.constant 3 : i32
    %dma_wait3A_539 = arith.constant 0 : i32
    %dma_wait3A_540 = tpu.memref_slice %arg3[%dma_wait3A_538, %add3A_432, %dma_wait3A_539] : memref<4x8192x1024xf32, #tpu.memory_space<hbm>> -> memref<1x32x1024xf32, #tpu.memory_space<hbm>>
    %dma_wait3A_541 = tpu.memref_squeeze %dma_wait3A_540 : memref<1x32x1024xf32, #tpu.memory_space<hbm>> -> memref<32x1024xf32, #tpu.memory_space<hbm>>
    %dma_wait3A_542 = arith.constant 0 : i32
    %dma_wait3A_543 = tpu.memref_slice %arg3[%dma_wait3A_538, %add3A_432, %dma_wait3A_542] : memref<4x8192x1024xf32, #tpu.memory_space<hbm>> -> memref<1x32x1024xf32, #tpu.memory_space<hbm>>
    %dma_wait3A_544 = tpu.memref_squeeze %dma_wait3A_543 : memref<1x32x1024xf32, #tpu.memory_space<hbm>> -> memref<32x1024xf32, #tpu.memory_space<hbm>>
    tpu.wait_dma2 semaphore(%arg9 : memref<!tpu.dma_semaphore, #tpu.memory_space<semaphore_mem>>) src(%arg5 : memref<32x1024xf32, #tpu.memory_space<vmem>>) dst(%dma_wait3A_544 : memref<32x1024xf32, #tpu.memory_space<hbm>>)
    return
  }
}

</mosaic_0001>

<sc_bundles>
// kernel: kernel.3.cloned.1.call-start
scs
__scs_entry_jumppad:
0x0: {  	(pc) =	sbr.rel $0x88, $3  }
0x1: {  	(tag) =	ssettag $0x0;
	lr =	simm.s32 $0x1  }
0x2: {  	[smem:$0x3FA0] =	sst lr;
	_ =	strace $0xD0000000  }
0x3: {  	_ = 	snop  }
0x4: {  	_ = 	snop  }
0x5: {  	_ = 	snop  }
0x6: {  	_ = 	snop  }
0x7: {  	_ = 	snop  }
__scs_overlays_trampoline_lowered:
0x8: {  	[smem:$0x3FAF] =	sst s0  }
0x9: {  	[smem:$0x3FB0] =	sst s1  }
0xa: {  	[smem:$0x3FB1] =	sst s2  }
0xb: {  	[smem:$0x3FB2] =	sst s3  }
0xc: {  	[smem:$0x3FB3] =	sst s4  }
0xd: {  	[smem:$0x3FB4] =	sst s5  }
0xe: {  	[smem:$0x3FB5] =	sst s6  }
0xf: {  	[smem:$0x3FB6] =	sst s7  }
0x10: {  	[smem:$0x3FB7] =	sst s8  }
0x11: {  	[smem:$0x3FB8] =	sst s9;
	s0 =	simm.s32 @!p0 $0x0  }
0x12: {  	s1 =	sld [smem:$0x3F9E];
	s0 =	simm.s32 @p0 $0x1  }
0x13: {  	[smem:$0x3FB9] =	sst s0;
	s0 =	simm.s32 @!p1 $0x0  }
0x14: {  	s2 =	sld [smem:$0x3F9D];
	s0 =	simm.s32 @p1 $0x1  }
0x15: {  	[smem:$0x3FBA] =	sst s0;
	s0 =	simm.s32 @!p2 $0x0  }
0x16: {  	s3 =	sld [smem:$0x3FDB];
	s0 =	simm.s32 @p2 $0x1  }
0x17: {  	s4 =	simm.s32 $0x1BF5;
	[smem:$0x3FBC] =	sst s0  }
0x18: {  	s0 =	sld [smem:$0x3F9F];
	_ =	swait.ge [sflag:s4], $0x0  }
0x19: {  	s7 =	sld [smem:$0x3FA0]  }
0x1a: {  	s8 =	sadd.s32 $0xFFFFE003, lr  }
0x1b: {  	s9 =	sadd.s32 $0xFFFFFEF7, lr;
	s5 =	simm.s32 $0xFFFFFFFF;
	p2 =	slt.u32 s8, $0xFFFFF086  }
0x1c: {  	p1 =	slt.u32 s9, $0xF7A;
	s5 =	simm.s32 @!p2 $0x0  }
0x1d: {  	s5 =	simm.s32 @p1 $0x1;
	p0 =	seq.s32 s7, s2  }
0x1e: {  	s7 =	smul.u32 @!p0 $0xF7A, s2;
	p2 =	seq.s32 @!p0 s5, $0x0  }
0x1f: {  	s9 =	smul.u32 $0xF7A, s1;
	s8 =	simm.s32 @!p0 $0x1BF5;
	p2 =	por !p2, p0  }
0x20: {  	[sflag:s8] =	ssyncset.s32 @!p0 $0xFFFFF086;
	s6 =	sadd.s32 @!p0 s3, s7;
	s7 =	simm.s32 @!p0 $0x108  }
0x21: {  	s3 =	sadd.s32 s3, s9;
	s6 =	sadd.s32 @!p0 $0x88, s6;
	s7 =	simm.s32 @p2 $0x1082  }
0x22: {  	[simem:s7], [sflag:s8] =	dma.local @!p0 [hbm:s6], $0xF7A  }
0x23: {  	s9 =	sor.u32 $0xD0000000, s2;
	s6 =	simm.s32 $0x108;
	_ =	swait.ge @!p0 [sflag:s8], $0x0  }
0x24: {  	s3 =	sadd.s32 $0x88, s3;
	s6 =	simm.s32 @!p1 $0x1082;
	[sflag:s4] =	ssyncset.s32 $0xFFFFF086  }
0x25: {  	[simem:s6], [sflag:s4] =	dma.local [hbm:s3], $0xF7A  }
0x26: {  	[smem:$0x3FA0] =	sst s1;
	(tag) =	ssettag s2;
	_ =	strace s9  }
0x27: {  	s1 =	sld [smem:$0x3FB0]  }
0x28: {  	s2 =	sld [smem:$0x3FB1]  }
0x29: {  	s4 =	sld [smem:$0x3FB3]  }
0x2a: {  	p0 =	seq.s32 s5, $0x0;
	s5 =	sld [smem:$0x3FB4]  }
0x2b: {  	s6 =	sld [smem:$0x3FB5]  }
0x2c: {  	s7 =	sld [smem:$0x3FB6]  }
0x2d: {  	s3 =	simm.s32 $0x108;
	s8 =	sld [smem:$0x3FB7]  }
0x2e: {  	s3 =	simm.s32 @!p0 $0x1082;
	s9 =	sld [smem:$0x3FB8]  }
0x2f: {  	lr =	sadd.s32 s0, s3;
	s0 =	sld [smem:$0x3FAF]  }
0x30: {  	s3 =	sld [smem:$0x3FB2]  }
0x31: {  	[smem:$0x3FBB] =	sst s10  }
0x32: {  	s10 =	sld [smem:$0x3FB9];
	_ =	sdelay $0x3  }
0x33: {  	p0 =	seq.s32 s10, $0x1;
	s10 =	sld [smem:$0x3FBB];
	_ =	sdelay $0x3  }
0x34: {  	[smem:$0x3FBB] =	sst s10  }
0x35: {  	s10 =	sld [smem:$0x3FBA];
	_ =	sdelay $0x3  }
0x36: {  	p1 =	seq.s32 s10, $0x1;
	s10 =	sld [smem:$0x3FBB];
	_ =	sdelay $0x3  }
0x37: {  	[smem:$0x3FBB] =	sst s10  }
0x38: {  	s10 =	sld [smem:$0x3FBC]  }
0x39: {  	_ = 	snop;
	(pc) =	sbr.ind lr, $3  }
0x3a: {  	_ = 	snop  }
0x3b: {  	_ = 	snop  }
0x3c: {  	p2 =	seq.s32 s10, $0x1;
	s10 =	sld [smem:$0x3FBB]  }
0x3d: {  	_ =	shalt  }
0x3e: {  	_ =	shalt  }
0x3f: {  	_ =	shalt  }
0x40: {  	_ =	shalt  }
0x41: {  	_ =	shalt  }
0x42: {  	_ =	shalt  }
0x43: {  	_ =	shalt  }
0x44: {  	_ =	shalt  }
0x45: {  	_ =	shalt  }
0x46: {  	_ =	shalt  }
0x47: {  	_ =	shalt  }
0x48: {  	_ =	shalt  }
0x49: {  	_ =	shalt  }
0x4a: {  	_ =	shalt  }
0x4b: {  	_ =	shalt  }
0x4c: {  	_ =	shalt  }
0x4d: {  	_ =	shalt  }
0x4e: {  	_ =	shalt  }
0x4f: {  	_ =	shalt  }
0x50: {  	_ =	shalt  }
0x51: {  	_ =	shalt  }
0x52: {  	_ =	shalt  }
0x53: {  	_ =	shalt  }
0x54: {  	_ =	shalt  }
0x55: {  	_ =	shalt  }
0x56: {  	_ =	shalt  }
0x57: {  	_ =	shalt  }
0x58: {  	_ =	shalt  }
0x59: {  	_ =	shalt  }
0x5a: {  	_ =	shalt  }
0x5b: {  	_ =	shalt  }
0x5c: {  	_ =	shalt  }
0x5d: {  	_ =	shalt  }
0x5e: {  	_ =	shalt  }
0x5f: {  	_ =	shalt  }
0x60: {  	_ =	shalt  }
0x61: {  	_ =	shalt  }
0x62: {  	_ =	shalt  }
0x63: {  	_ =	shalt  }
0x64: {  	_ =	shalt  }
0x65: {  	_ =	shalt  }
0x66: {  	_ =	shalt  }
0x67: {  	_ =	shalt  }
0x68: {  	_ =	shalt  }
0x69: {  	_ =	shalt  }
0x6a: {  	_ =	shalt  }
0x6b: {  	_ =	shalt  }
0x6c: {  	_ =	shalt  }
0x6d: {  	_ =	shalt  }
0x6e: {  	_ =	shalt  }
0x6f: {  	_ =	shalt  }
0x70: {  	_ =	shalt  }
0x71: {  	_ =	shalt  }
0x72: {  	_ =	shalt  }
0x73: {  	_ =	shalt  }
0x74: {  	_ =	shalt  }
0x75: {  	_ =	shalt  }
0x76: {  	_ =	shalt  }
0x77: {  	_ =	shalt  }
0x78: {  	_ =	shalt  }
0x79: {  	_ =	shalt  }
0x7a: {  	_ =	shalt  }
0x7b: {  	_ =	shalt  }
0x7c: {  	_ =	shalt  }
0x7d: {  	_ =	shalt  }
0x7e: {  	_ =	shalt  }
0x7f: {  	_ =	shalt  }
0x80: {  	_ =	shalt  }
0x81: {  	_ =	shalt  }
0x82: {  	_ =	shalt  }
0x83: {  	_ =	shalt  }
0x84: {  	_ =	shalt  }
0x85: {  	_ =	shalt  }
0x86: {  	_ =	shalt  }
0x87: {  	_ =	shalt  }
.Lfunc_end0:
.L_simem_size_0:
called_computation_lowered:
.L_overlay_start_0:
0x88: {  	s2 =	sld [smem:$0x3FD9]  }
0x89: {  	s3 =	sld [smem:$0x3FFE];
	_ =	sdelay $0x1  }
0x8a: {  	s1 =	srdreg.scid  }
0x8b: {  	s0 =	sand.u32 $0x1, s1  }
0x8c: {  	s18 =	sshll.u32 s0, $0xA;
	s2 =	sadd.s32 s3, s2  }
0x8d: {  	s2 =	sadd.s32 s2, s18  }
0x8e: {  	[smem:$0x3FC7] =	sst s2  }
0x8f: {  	_ = 	snop  }
0x90: {  	s2 =	sld [smem:$0x3FC9]  }
0x91: {  	s19 =	sld [smem:$0x3FD0];
	(tm) =	ssettm $0x1  }
0x92: {  	s4 =	sld [smem:$0x3FFB];
	_ =	sdelay $0x3  }
0x93: {  	_ =	strace s4  }
0x94: {  	s4 =	sld [smem:$0x3FFC];
	_ =	sdelay $0x3  }
0x95: {  	_ =	strace s4  }
0x96: {  	s4 =	sld [smem:$0x3FFD];
	_ =	sdelay $0x3  }
0x97: {  	_ =	strace s4  }
0x98: {  	_ =	strace $0x8FFFFFFF  }
0x99: {  	s20 =	sld [smem:$0x3FDB];
	_ =	sdelay $0x1  }
0x9a: {  	s5 =	simm.s32 $_scs_section_size  }
0x9b: {  	s6 =	simm.s32 $_size__tile_overlayer_lowered;
	s7 =	simm.s32 $_tile_overlayer_lowered  }
0x9c: {  	s23 =	simm.s32 $0x1BFF;
	s22 =	sshll.u32 s7, $0x1;
	s4 =	sadd.s32 s5, s20  }
0x9d: {  	s8 =	simm.s32 $0x0;
	s21 =	sshll.u32 s6, $0x1;
	s6 =	sadd.s32 s22, s4  }
0x9e: {  	[timem:s8], [sflag:s23] =	dma.local [hbm:s6], s21  }
0x9f: {  	_ =	swait.ge [sflag:s23], s21  }
0xa0: {  	s5 =	ssub.s32 $0x0, s21;
	[sflag:s23] =	ssyncset.done $0x0  }
0xa1: {  	[sflag:s23] =	ssyncadd.s32 s5;
	_ =	sdelay $0x1  }
0xa2: {  	s24 =	simm.s32 $0x1B8B  }
0xa3: {  	_ =	swait.ge [sflag:s24], $0x1  }
0xa4: {  	[sflag:s24] =	ssyncset.done $0x0  }
0xa5: {  	s25 =	simm.s32 $0x1B8E;
	[sflag:s24] =	ssyncadd.s32 $0xFFFFFFFF  }
0xa6: {  	s26 =	simm.s32 $execute0_lowered;
	[smem:$0x3FD2] =	sst s25  }
0xa7: {  	s5 =	sshll.u32 s26, $0x1;
	_ =	strace $0x80000046;
	[dreg:$0x1] =	wrdreg $0xFFFFFFFF  }
0xa8: {  	s28 =	simm.s32 $_size_execute0_lowered;
	s4 =	sadd.s32 s4, s5;
	[dreg:$0x0] =	wrdreg $0x0  }
0xa9: {  	s5 =	sshll.u32 s28, $0x1;
	[dreg:$0x2] =	wrdreg s4  }
0xaa: {  	[dreg:$0x3] =	wrdreg s5  }
0xab: {  	[dreg:$0x4] =	wrdreg $0xC0  }
0xac: {  	_ =	task [dreg:s8], $0x5FFFF  }
0xad: {  	[dreg:$0x1] =	wrdreg $0xFFFFFFFF  }
0xae: {  	[dreg:$0x0] =	wrdreg $0x60  }
0xaf: {  	[dreg:$0x2] =	wrdreg s2  }
0xb0: {  	[dreg:$0x3] =	wrdreg s19  }
0xb1: {  	[dreg:$0x4] =	wrdreg $0x9  }
0xb2: {  	_ =	task.clear_ibuf [dreg:s8], $0x5FFFF;
	_ =	strace $0x90000046  }
0xb3: {  	s29 =	simm.s32 $0x9;
	_ =	strace $0x80000048  }
0xb4: {  	_ =	swait.ge [sflag:s29], $0x1  }
0xb5: {  	[sflag:s29] =	ssyncadd.s32 $0xFFFFFFFF  }
0xb6: {  	_ =	strace $0x90000048  }
0xb7: {  	_ =	sfence  }
0xb8: {  	s30 =	sld [smem:$0x0];
	_ =	sdelay $0x2  }
0xb9: {  	s31 =	sshll.u32 s1, $0xD;
	s1 =	sshrl.u32 s1, $0x2  }
0xba: {  	s3 =	sand.u32 $0x4000, s31;
	s1 =	sadd.s32 s1, s30  }
0xbb: {  	s0 =	sor.u32 s3, s0;
	s1 =	sshll.u32 s1, $0x11  }
0xbc: {  	s0 =	sor.u32 s1, s0  }
0xbd: {  	s0 =	sadd.s32 $0x8F2B, s0  }
0xbe: {  	[sflag:s0] =	ssyncadd.remote.s32 $0x1  }
0xbf: {  	_ =	sfence.sel $0xFFFF  }
0xc0: {  	[dreg:$0x0] =	wrdreg $0xFFFFFFFF;
	(pc) =	sbr.abs _section_cstart, $3  }
0xc1: {  	[dreg:$0x1] =	wrdreg $0xFFFFFFFF  }
0xc2: {  	_ =	task.clear_ibuf [dreg:s8], $0x2FFFF;
	_ =	strace $0x9FFFFFFF  }
0xc3: {  	(tm) =	ssettm $0x7FFFFFFF  }
tec
execute0_lowered:
.L_overlay_start_1:
0x0: {  	(tag) =	ssettag $0x1  }
0x1: {  	s0 =	rddreg [dreg:$0x0];
	s1 =	srdreg.scid  }
0x2: {  	s3 =	rddreg [dreg:$0x1];
	s4 =	stileid.u32;
	s1 =	sand.u32 $0x1, s1  }
0x3: {  	s2 =	simm.s32 $0x0;
	s4 =	sshll.u32 s4, $0x10;
	s5 =	sshll.u32 s1, $0xF  }
0x4: {  	[smem:$0x7FF] =	sst s2;
	s4 =	sor.u32 s5, s4  }
0x5: {  	_ =	strace $0x80000047;
	s5 =	sadd.s32 s0, s4;
	s6 =	sor.u32 $0x1000, s4  }
0x6: {  	s7 =	sor.u32 $0x2000, s4;
	[dreg:$0x3] =	wrdreg s5;
	s11 =	sadd.s32 s0, s6  }
0x7: {  	s31 =	sadd.s32 s3, s4;
	s12 =	sadd.s32 s0, s7;
	[dreg:$0x4] =	wrdreg s11  }
0x8: {  	s13 =	sadd.s32 $0x100000, s31;
	[dreg:$0x5] =	wrdreg s12  }
0x9: {  	s14 =	sadd.s32 $0x200000, s31;
	[dreg:$0x6] =	wrdreg s13  }
0xa: {  	s15 =	sadd.s32 $0x300000, s31;
	[dreg:$0x7] =	wrdreg s14  }
0xb: {  	p0 =	por $0x0, $0x0;
	s16 =	sadd.s32 s3, s6;
	[dreg:$0x8] =	wrdreg s15  }
0xc: {  	s29 =	simm.s32 $0x10000;
	s17 =	sadd.s32 $0x101000, s31;
	[dreg:$0x9] =	wrdreg s16  }
0xd: {  	s1 =	ssub.s32 $0x2, s1;
	s18 =	sadd.s32 $0x201000, s31;
	[dreg:$0xa] =	wrdreg s17  }
0xe: {  	s26 =	sshrl.u32 s1, $0x1;
	s19 =	sadd.s32 $0x301000, s31;
	[dreg:$0xb] =	wrdreg s18  }
0xf: {  	s24 =	sor.u32 $0x3000, s4;
	s20 =	sadd.s32 s3, s7;
	[dreg:$0xc] =	wrdreg s19  }
0x10: {  	s1 =	ssub.s32 s1, s26;
	s21 =	sadd.s32 $0x102000, s31;
	[dreg:$0xd] =	wrdreg s20  }
0x11: {  	s9 =	sor.u32 $0x4000, s4;
	s22 =	sadd.s32 $0x202000, s31;
	[dreg:$0xe] =	wrdreg s21  }
0x12: {  	s10 =	sor.u32 $0x5000, s4;
	s23 =	sadd.s32 $0x302000, s31;
	[dreg:$0xf] =	wrdreg s22  }
0x13: {  	s25 =	sadd.s32 s0, s24;
	s6 =	sadd.s32 s3, s24;
	[dreg:$0x10] =	wrdreg s23  }
0x14: {  	s7 =	sadd.s32 $0x103000, s31;
	s8 =	sadd.s32 $0x203000, s31;
	[dreg:$0x11] =	wrdreg s25  }
0x15: {  	s30 =	sadd.s32 $0x303000, s31;
	s28 =	sadd.s32 s0, s9;
	[dreg:$0x12] =	wrdreg s6  }
0x16: {  	s24 =	sadd.s32 $0x104000, s31;
	s26 =	sadd.s32 $0x304000, s31;
	[dreg:$0x13] =	wrdreg s7  }
0x17: {  	s5 =	simm.s32 $0x4;
	[dreg:$0x14] =	wrdreg s8;
	s23 =	sadd.s32 s3, s9  }
0x18: {  	s25 =	sadd.s32 $0x204000, s31;
	s22 =	sadd.s32 s0, s10;
	s18 =	sadd.s32 s3, s10  }
0x19: {  	s19 =	sadd.s32 $0x105000, s31;
	s11 =	sor.u32 $0x6000, s4;
	s20 =	sadd.s32 $0x205000, s31  }
0x1a: {  	s21 =	sadd.s32 $0x305000, s31;
	s14 =	sadd.s32 $0x106000, s31;
	s12 =	smax.u32 s1, $0x1  }
0x1b: {  	s4 =	sor.u32 $0x7000, s4;
	s15 =	sadd.s32 $0x206000, s31;
	p1 =	sne.s32 s12, $0x1  }
.Ltmp0:
0x1c: {  	s16 =	sadd.s32 $0x306000, s31;
	s7 =	sadd.s32 $0x107000, s31;
	(pc) =	sbr.rel @!p1 .LBB2_5-.Ltmp0, $4  }
0x1d: {  	s8 =	sadd.s32 $0x207000, s31;
	s9 =	sadd.s32 $0x307000, s31;
	s1 =	rddreg [dreg:$0x3]  }
0x1e: {  	s17 =	sadd.s32 s0, s11;
	s13 =	sadd.s32 s3, s11;
	s10 =	sadd.s32 s0, s4  }
0x1f: {  	s6 =	sadd.s32 s3, s4;
	s0 =	sadd.s32 $0xFFFFFFFF, s12;
	s11 =	simm.s32 $0x8000  }
0x20: {  	s12 =	simm.s32 $0x1;
	s4 =	simm.s32 $0x2;
	s3 =	simm.s32 $0x3  }
0x21: {  	[dreg:$0x16] =	wrdreg s0  }
0x22: {  	[tilespmem:s2], [sflag:$0x1] =	stream.linear.gather [hbm4b:s1+s2], $0x8000, $0x38;
	[tilespmem:$0x18000] =	vst v63  }
0x23: {  	s0 =	rddreg [dreg:$0x4]  }
0x24: {  	[tilespmem:s11], [sflag:$0x1] =	stream.linear.gather [hbm4b:s0+s2], $0x8000, $0x38;
	[tilespmem:$0x18000] =	vst v63  }
0x25: {  	s1 =	rddreg [dreg:$0x5]  }
0x26: {  	[tilespmem:s29], [sflag:$0x1] =	stream.linear.gather [hbm4b:s1+s2], $0x8000, $0x38;
	[tilespmem:$0x18000] =	vst v63  }
0x27: {  	_ =	swait.ge [sflag:s12], $0x8000  }
0x28: {  	[sflag:s12] =	ssyncset.done $0x0  }
0x29: {  	[sflag:s12] =	ssyncadd.s32 $0xFFFF8000  }
0x2a: {  	[hbm4b:s31+s2] =	stream.linear.scatter [tilespmem:s2], [sflag:$0x2], $0x8000, $0x38;
	[tilespmem:$0x18000] =	vst v63  }
0x2b: {  	s0 =	rddreg [dreg:$0x6]  }
0x2c: {  	[hbm4b:s0+s2] =	stream.linear.scatter [tilespmem:s2], [sflag:$0x2], $0x8000, $0x38;
	[tilespmem:$0x18000] =	vst v63  }
0x2d: {  	s1 =	rddreg [dreg:$0x7]  }
0x2e: {  	[hbm4b:s1+s2] =	stream.linear.scatter [tilespmem:s2], [sflag:$0x2], $0x8000, $0x38;
	[tilespmem:$0x18000] =	vst v63  }
0x2f: {  	s0 =	rddreg [dreg:$0x8]  }
0x30: {  	[hbm4b:s0+s2] =	stream.linear.scatter [tilespmem:s2], [sflag:$0x2], $0x8000, $0x38;
	[tilespmem:$0x18000] =	vst v63  }
0x31: {  	_ =	swait.ge [sflag:s12], $0x8000  }
0x32: {  	[sflag:s12] =	ssyncset.done $0x0  }
0x33: {  	s0 =	rddreg [dreg:$0x9];
	[sflag:s12] =	ssyncadd.s32 $0xFFFF8000  }
0x34: {  	[hbm4b:s0+s2] =	stream.linear.scatter [tilespmem:s11], [sflag:$0x3], $0x8000, $0x38;
	[tilespmem:$0x18000] =	vst v63  }
0x35: {  	s1 =	rddreg [dreg:$0xa]  }
0x36: {  	[hbm4b:s1+s2] =	stream.linear.scatter [tilespmem:s11], [sflag:$0x3], $0x8000, $0x38;
	[tilespmem:$0x18000] =	vst v63  }
0x37: {  	s0 =	rddreg [dreg:$0xb]  }
0x38: {  	[hbm4b:s0+s2] =	stream.linear.scatter [tilespmem:s11], [sflag:$0x3], $0x8000, $0x38;
	[tilespmem:$0x18000] =	vst v63  }
0x39: {  	s1 =	rddreg [dreg:$0xc]  }
0x3a: {  	[hbm4b:s1+s2] =	stream.linear.scatter [tilespmem:s11], [sflag:$0x3], $0x8000, $0x38;
	[tilespmem:$0x18000] =	vst v63  }
0x3b: {  	_ =	swait.ge [sflag:s12], $0x8000  }
0x3c: {  	[sflag:s12] =	ssyncset.done $0x0  }
0x3d: {  	s0 =	rddreg [dreg:$0xd];
	[sflag:s12] =	ssyncadd.s32 $0xFFFF8000  }
0x3e: {  	[hbm4b:s0+s2] =	stream.linear.scatter [tilespmem:s29], [sflag:$0x4], $0x8000, $0x38;
	[tilespmem:$0x18000] =	vst v63  }
0x3f: {  	s1 =	rddreg [dreg:$0xe]  }
0x40: {  	[hbm4b:s1+s2] =	stream.linear.scatter [tilespmem:s29], [sflag:$0x4], $0x8000, $0x38;
	[tilespmem:$0x18000] =	vst v63  }
0x41: {  	s0 =	rddreg [dreg:$0xf]  }
0x42: {  	[hbm4b:s0+s2] =	stream.linear.scatter [tilespmem:s29], [sflag:$0x4], $0x8000, $0x38;
	[tilespmem:$0x18000] =	vst v63  }
0x43: {  	s1 =	rddreg [dreg:$0x10]  }
0x44: {  	[hbm4b:s1+s2] =	stream.linear.scatter [tilespmem:s29], [sflag:$0x4], $0x8000, $0x38;
	[tilespmem:$0x18000] =	vst v63  }
0x45: {  	_ =	swait.ge [sflag:s4], $0x8000  }
0x46: {  	[sflag:s4] =	ssyncset.done $0x0  }
0x47: {  	[sflag:s4] =	ssyncadd.s32 $0xFFFF8000  }
0x48: {  	_ =	swait.ge [sflag:s4], $0x8000  }
0x49: {  	[sflag:s4] =	ssyncset.done $0x0  }
0x4a: {  	[sflag:s4] =	ssyncadd.s32 $0xFFFF8000  }
0x4b: {  	_ =	swait.ge [sflag:s4], $0x8000  }
0x4c: {  	[sflag:s4] =	ssyncset.done $0x0  }
0x4d: {  	[sflag:s4] =	ssyncadd.s32 $0xFFFF8000  }
0x4e: {  	_ =	swait.ge [sflag:s4], $0x8000  }
0x4f: {  	[sflag:s4] =	ssyncset.done $0x0  }
0x50: {  	s1 =	rddreg [dreg:$0x11];
	[sflag:s4] =	ssyncadd.s32 $0xFFFF8000  }
0x51: {  	[tilespmem:s2], [sflag:$0x1] =	stream.linear.gather [hbm4b:s1+s2], $0x8000, $0x38;
	[tilespmem:$0x18000] =	vst v63  }
0x52: {  	_ =	swait.ge [sflag:s12], $0x8000  }
0x53: {  	[sflag:s12] =	ssyncset.done $0x0  }
0x54: {  	s0 =	rddreg [dreg:$0x12];
	[sflag:s12] =	ssyncadd.s32 $0xFFFF8000  }
0x55: {  	[hbm4b:s0+s2] =	stream.linear.scatter [tilespmem:s2], [sflag:$0x2], $0x8000, $0x38;
	[tilespmem:$0x18000] =	vst v63  }
0x56: {  	s1 =	rddreg [dreg:$0x13]  }
0x57: {  	[hbm4b:s1+s2] =	stream.linear.scatter [tilespmem:s2], [sflag:$0x2], $0x8000, $0x38;
	[tilespmem:$0x18000] =	vst v63  }
0x58: {  	s0 =	rddreg [dreg:$0x14]  }
0x59: {  	[hbm4b:s0+s2] =	stream.linear.scatter [tilespmem:s2], [sflag:$0x2], $0x8000, $0x38;
	[tilespmem:$0x18000] =	vst v63  }
0x5a: {  	_ = 	snop  }
0x5b: {  	[hbm4b:s30+s2] =	stream.linear.scatter [tilespmem:s2], [sflag:$0x2], $0x8000, $0x38;
	[tilespmem:$0x18000] =	vst v63  }
0x5c: {  	_ =	swait.ge [sflag:s3], $0x8000  }
0x5d: {  	[sflag:s3] =	ssyncset.done $0x0  }
0x5e: {  	[sflag:s3] =	ssyncadd.s32 $0xFFFF8000  }
0x5f: {  	_ =	swait.ge [sflag:s3], $0x8000  }
0x60: {  	[sflag:s3] =	ssyncset.done $0x0  }
0x61: {  	[sflag:s3] =	ssyncadd.s32 $0xFFFF8000  }
0x62: {  	_ =	swait.ge [sflag:s3], $0x8000  }
0x63: {  	[sflag:s3] =	ssyncset.done $0x0  }
0x64: {  	[sflag:s3] =	ssyncadd.s32 $0xFFFF8000  }
0x65: {  	_ =	swait.ge [sflag:s3], $0x8000  }
0x66: {  	[sflag:s3] =	ssyncset.done $0x0  }
0x67: {  	[sflag:s3] =	ssyncadd.s32 $0xFFFF8000  }
0x68: {  	[tilespmem:s11], [sflag:$0x1] =	stream.linear.gather [hbm4b:s28+s2], $0x8000, $0x38;
	[tilespmem:$0x18000] =	vst v63  }
0x69: {  	_ =	swait.ge [sflag:s12], $0x8000  }
0x6a: {  	[sflag:s12] =	ssyncset.done $0x0  }
0x6b: {  	[sflag:s12] =	ssyncadd.s32 $0xFFFF8000  }
0x6c: {  	[hbm4b:s23+s2] =	stream.linear.scatter [tilespmem:s11], [sflag:$0x3], $0x8000, $0x38;
	[tilespmem:$0x18000] =	vst v63  }
0x6d: {  	_ = 	snop  }
0x6e: {  	[hbm4b:s24+s2] =	stream.linear.scatter [tilespmem:s11], [sflag:$0x3], $0x8000, $0x38;
	[tilespmem:$0x18000] =	vst v63  }
0x6f: {  	_ = 	snop  }
0x70: {  	[hbm4b:s25+s2] =	stream.linear.scatter [tilespmem:s11], [sflag:$0x3], $0x8000, $0x38;
	[tilespmem:$0x18000] =	vst v63  }
0x71: {  	_ = 	snop  }
0x72: {  	[hbm4b:s26+s2] =	stream.linear.scatter [tilespmem:s11], [sflag:$0x3], $0x8000, $0x38;
	[tilespmem:$0x18000] =	vst v63  }
0x73: {  	_ =	swait.ge [sflag:s5], $0x8000  }
0x74: {  	[sflag:s5] =	ssyncset.done $0x0  }
0x75: {  	[sflag:s5] =	ssyncadd.s32 $0xFFFF8000  }
0x76: {  	_ =	swait.ge [sflag:s5], $0x8000  }
0x77: {  	[sflag:s5] =	ssyncset.done $0x0  }
0x78: {  	[sflag:s5] =	ssyncadd.s32 $0xFFFF8000  }
0x79: {  	_ =	swait.ge [sflag:s5], $0x8000  }
0x7a: {  	[sflag:s5] =	ssyncset.done $0x0  }
0x7b: {  	[sflag:s5] =	ssyncadd.s32 $0xFFFF8000  }
0x7c: {  	_ =	swait.ge [sflag:s5], $0x8000  }
0x7d: {  	[sflag:s5] =	ssyncset.done $0x0  }
0x7e: {  	[sflag:s5] =	ssyncadd.s32 $0xFFFF8000  }
0x7f: {  	[tilespmem:s29], [sflag:$0x1] =	stream.linear.gather [hbm4b:s22+s2], $0x8000, $0x38;
	[tilespmem:$0x18000] =	vst v63  }
0x80: {  	_ =	swait.ge [sflag:s12], $0x8000  }
0x81: {  	[sflag:s12] =	ssyncset.done $0x0  }
0x82: {  	[sflag:s12] =	ssyncadd.s32 $0xFFFF8000  }
0x83: {  	[hbm4b:s18+s2] =	stream.linear.scatter [tilespmem:s29], [sflag:$0x4], $0x8000, $0x38;
	[tilespmem:$0x18000] =	vst v63  }
0x84: {  	_ = 	snop  }
0x85: {  	[hbm4b:s19+s2] =	stream.linear.scatter [tilespmem:s29], [sflag:$0x4], $0x8000, $0x38;
	[tilespmem:$0x18000] =	vst v63  }
0x86: {  	_ = 	snop  }
0x87: {  	[hbm4b:s20+s2] =	stream.linear.scatter [tilespmem:s29], [sflag:$0x4], $0x8000, $0x38;
	[tilespmem:$0x18000] =	vst v63  }
0x88: {  	_ = 	snop  }
0x89: {  	[hbm4b:s21+s2] =	stream.linear.scatter [tilespmem:s29], [sflag:$0x4], $0x8000, $0x38;
	[tilespmem:$0x18000] =	vst v63  }
0x8a: {  	_ =	swait.ge [sflag:s4], $0x8000  }
0x8b: {  	[sflag:s4] =	ssyncset.done $0x0  }
0x8c: {  	[sflag:s4] =	ssyncadd.s32 $0xFFFF8000  }
0x8d: {  	_ =	swait.ge [sflag:s4], $0x8000  }
0x8e: {  	[sflag:s4] =	ssyncset.done $0x0  }
0x8f: {  	[sflag:s4] =	ssyncadd.s32 $0xFFFF8000  }
0x90: {  	_ =	swait.ge [sflag:s4], $0x8000  }
0x91: {  	[sflag:s4] =	ssyncset.done $0x0  }
0x92: {  	[sflag:s4] =	ssyncadd.s32 $0xFFFF8000  }
0x93: {  	_ =	swait.ge [sflag:s4], $0x8000  }
0x94: {  	[sflag:s4] =	ssyncset.done $0x0  }
0x95: {  	[sflag:s4] =	ssyncadd.s32 $0xFFFF8000  }
0x96: {  	[tilespmem:s2], [sflag:$0x1] =	stream.linear.gather [hbm4b:s17+s2], $0x8000, $0x38;
	[tilespmem:$0x18000] =	vst v63  }
0x97: {  	_ =	swait.ge [sflag:s12], $0x8000  }
0x98: {  	[sflag:s12] =	ssyncset.done $0x0  }
0x99: {  	[sflag:s12] =	ssyncadd.s32 $0xFFFF8000  }
0x9a: {  	[hbm4b:s13+s2] =	stream.linear.scatter [tilespmem:s2], [sflag:$0x2], $0x8000, $0x38;
	[tilespmem:$0x18000] =	vst v63  }
0x9b: {  	_ = 	snop  }
0x9c: {  	[hbm4b:s14+s2] =	stream.linear.scatter [tilespmem:s2], [sflag:$0x2], $0x8000, $0x38;
	[tilespmem:$0x18000] =	vst v63  }
0x9d: {  	_ = 	snop  }
0x9e: {  	[hbm4b:s15+s2] =	stream.linear.scatter [tilespmem:s2], [sflag:$0x2], $0x8000, $0x38;
	[tilespmem:$0x18000] =	vst v63  }
0x9f: {  	_ = 	snop  }
0xa0: {  	[hbm4b:s16+s2] =	stream.linear.scatter [tilespmem:s2], [sflag:$0x2], $0x8000, $0x38;
	[tilespmem:$0x18000] =	vst v63  }
0xa1: {  	_ =	swait.ge [sflag:s3], $0x8000  }
0xa2: {  	[sflag:s3] =	ssyncset.done $0x0  }
0xa3: {  	[sflag:s3] =	ssyncadd.s32 $0xFFFF8000  }
0xa4: {  	_ =	swait.ge [sflag:s3], $0x8000  }
0xa5: {  	[sflag:s3] =	ssyncset.done $0x0  }
0xa6: {  	[sflag:s3] =	ssyncadd.s32 $0xFFFF8000  }
0xa7: {  	_ =	swait.ge [sflag:s3], $0x8000  }
0xa8: {  	[sflag:s3] =	ssyncset.done $0x0  }
0xa9: {  	[sflag:s3] =	ssyncadd.s32 $0xFFFF8000  }
0xaa: {  	_ =	swait.ge [sflag:s3], $0x8000  }
0xab: {  	[sflag:s3] =	ssyncset.done $0x0  }
0xac: {  	[sflag:s3] =	ssyncadd.s32 $0xFFFF8000  }
0xad: {  	[tilespmem:s11], [sflag:$0x1] =	stream.linear.gather [hbm4b:s10+s2], $0x8000, $0x38;
	[tilespmem:$0x18000] =	vst v63  }
0xae: {  	_ =	swait.ge [sflag:s12], $0x8000  }
0xaf: {  	[sflag:s12] =	ssyncset.done $0x0  }
0xb0: {  	[sflag:s12] =	ssyncadd.s32 $0xFFFF8000  }
0xb1: {  	[hbm4b:s6+s2] =	stream.linear.scatter [tilespmem:s11], [sflag:$0x3], $0x8000, $0x38;
	[tilespmem:$0x18000] =	vst v63  }
0xb2: {  	_ = 	snop  }
0xb3: {  	[hbm4b:s7+s2] =	stream.linear.scatter [tilespmem:s11], [sflag:$0x3], $0x8000, $0x38;
	[tilespmem:$0x18000] =	vst v63  }
0xb4: {  	_ = 	snop  }
0xb5: {  	[hbm4b:s8+s2] =	stream.linear.scatter [tilespmem:s11], [sflag:$0x3], $0x8000, $0x38;
	[tilespmem:$0x18000] =	vst v63  }
0xb6: {  	_ = 	snop  }
0xb7: {  	[hbm4b:s9+s2] =	stream.linear.scatter [tilespmem:s11], [sflag:$0x3], $0x8000, $0x38;
	[tilespmem:$0x18000] =	vst v63  }
0xb8: {  	_ =	swait.ge [sflag:s5], $0x8000  }
0xb9: {  	[sflag:s5] =	ssyncset.done $0x0  }
0xba: {  	[sflag:s5] =	ssyncadd.s32 $0xFFFF8000  }
0xbb: {  	_ =	swait.ge [sflag:s5], $0x8000  }
0xbc: {  	[sflag:s5] =	ssyncset.done $0x0  }
0xbd: {  	[sflag:s5] =	ssyncadd.s32 $0xFFFF8000  }
0xbe: {  	_ =	swait.ge [sflag:s5], $0x8000  }
0xbf: {  	[sflag:s5] =	ssyncset.done $0x0  }
0xc0: {  	[sflag:s5] =	ssyncadd.s32 $0xFFFF8000  }
0xc1: {  	_ =	swait.ge [sflag:s5], $0x8000  }
0xc2: {  	[sflag:s5] =	ssyncset.done $0x0  }
0xc3: {  	[sflag:s5] =	ssyncadd.s32 $0xFFFF8000  }
0xc4: {  	_ =	swait.ge [sflag:s4], $0x8000  }
0xc5: {  	[sflag:s4] =	ssyncset.done $0x0  }
0xc6: {  	[sflag:s4] =	ssyncadd.s32 $0xFFFF8000  }
0xc7: {  	_ =	swait.ge [sflag:s4], $0x8000  }
0xc8: {  	[sflag:s4] =	ssyncset.done $0x0  }
0xc9: {  	[sflag:s4] =	ssyncadd.s32 $0xFFFF8000  }
0xca: {  	_ =	swait.ge [sflag:s4], $0x8000  }
0xcb: {  	[sflag:s4] =	ssyncset.done $0x0  }
0xcc: {  	[sflag:s4] =	ssyncadd.s32 $0xFFFF8000  }
0xcd: {  	_ =	swait.ge [sflag:s4], $0x8000  }
0xce: {  	[sflag:s4] =	ssyncset.done $0x0  }
0xcf: {  	[sflag:s4] =	ssyncadd.s32 $0xFFFF8000  }
0xd0: {  	_ =	swait.ge [sflag:s3], $0x8000  }
0xd1: {  	[sflag:s3] =	ssyncset.done $0x0  }
0xd2: {  	[sflag:s3] =	ssyncadd.s32 $0xFFFF8000  }
0xd3: {  	_ =	swait.ge [sflag:s3], $0x8000  }
0xd4: {  	[sflag:s3] =	ssyncset.done $0x0  }
0xd5: {  	[sflag:s3] =	ssyncadd.s32 $0xFFFF8000  }
0xd6: {  	_ =	swait.ge [sflag:s3], $0x8000  }
0xd7: {  	s1 =	rddreg [dreg:$0x16]  }
0xd8: {  	p1 =	sne.s32 s1, $0x1  }
.Ltmp1:
0xd9: {  	_ = 	snop;
	(pc) =	sbr.rel @!p1 .LBB2_2-.Ltmp1, $4  }
0xda: {  	[sflag:s3] =	ssyncset.done $0x0  }
0xdb: {  	[sflag:s3] =	ssyncadd.s32 $0xFFFF8000  }
0xdc: {  	p0 =	por $0x1, $0x1;
	_ =	swait.ge [sflag:s3], $0x8000;
	[dreg:$0x15] =	wrdreg s31  }
0xdd: {  	s0 =	sadd.s32 $0xFFFFFFFF, s1;
	s1 =	rddreg [dreg:$0x3];
	[sflag:s3] =	ssyncset.done $0x0  }
.LBB2_3:
0xde: {  	[sflag:s3] =	ssyncadd.s32 $0xFFFF8000;
	s31 =	smov.u32 s30  }
0xdf: {  	s30 =	smov.u32 s28;
	s28 =	smov.u32 s26;
	s26 =	smov.u32 s25  }
0xe0: {  	s25 =	smov.u32 s24;
	s24 =	smov.u32 s23;
	s23 =	smov.u32 s22  }
0xe1: {  	s22 =	smov.u32 s21;
	s21 =	smov.u32 s20;
	s20 =	smov.u32 s19  }
0xe2: {  	s19 =	smov.u32 s18;
	s18 =	smov.u32 s17;
	s17 =	smov.u32 s16  }
0xe3: {  	s16 =	smov.u32 s15;
	s15 =	smov.u32 s14;
	s14 =	smov.u32 s13  }
0xe4: {  	s13 =	smov.u32 s10;
	s10 =	smov.u32 s9;
	s9 =	smov.u32 s8  }
0xe5: {  	[tilespmem:s2], [sflag:$0x1] =	stream.linear.gather [hbm4b:s1+s2], $0x8000, $0x38;
	[tilespmem:$0x18000] =	vst v63  }
0xe6: {  	s8 =	smov.u32 s7;
	s7 =	smov.u32 s6;
	s6 =	rddreg [dreg:$0x4]  }
0xe7: {  	[tilespmem:s11], [sflag:$0x1] =	stream.linear.gather [hbm4b:s6+s2], $0x8000, $0x38;
	[tilespmem:$0x18000] =	vst v63  }
0xe8: {  	s1 =	rddreg [dreg:$0x5]  }
0xe9: {  	[tilespmem:s29], [sflag:$0x1] =	stream.linear.gather [hbm4b:s1+s2], $0x8000, $0x38;
	[tilespmem:$0x18000] =	vst v63  }
0xea: {  	_ =	swait.ge [sflag:s12], $0x8000  }
0xeb: {  	[sflag:s12] =	ssyncset.done $0x0  }
0xec: {  	s6 =	rddreg [dreg:$0x15];
	[sflag:s12] =	ssyncadd.s32 $0xFFFF8000  }
0xed: {  	[hbm4b:s6+s2] =	stream.linear.scatter [tilespmem:s2], [sflag:$0x2], $0x8000, $0x38;
	[tilespmem:$0x18000] =	vst v63  }
0xee: {  	s1 =	rddreg [dreg:$0x6]  }
0xef: {  	[hbm4b:s1+s2] =	stream.linear.scatter [tilespmem:s2], [sflag:$0x2], $0x8000, $0x38;
	[tilespmem:$0x18000] =	vst v63  }
0xf0: {  	s6 =	rddreg [dreg:$0x7]  }
0xf1: {  	[hbm4b:s6+s2] =	stream.linear.scatter [tilespmem:s2], [sflag:$0x2], $0x8000, $0x38;
	[tilespmem:$0x18000] =	vst v63  }
0xf2: {  	s1 =	rddreg [dreg:$0x8]  }
0xf3: {  	[hbm4b:s1+s2] =	stream.linear.scatter [tilespmem:s2], [sflag:$0x2], $0x8000, $0x38;
	[tilespmem:$0x18000] =	vst v63  }
0xf4: {  	_ =	swait.ge [sflag:s12], $0x8000  }
0xf5: {  	[sflag:s12] =	ssyncset.done $0x0  }
0xf6: {  	s1 =	rddreg [dreg:$0x9];
	[sflag:s12] =	ssyncadd.s32 $0xFFFF8000  }
0xf7: {  	[hbm4b:s1+s2] =	stream.linear.scatter [tilespmem:s11], [sflag:$0x3], $0x8000, $0x38;
	[tilespmem:$0x18000] =	vst v63  }
0xf8: {  	s6 =	rddreg [dreg:$0xa]  }
0xf9: {  	[hbm4b:s6+s2] =	stream.linear.scatter [tilespmem:s11], [sflag:$0x3], $0x8000, $0x38;
	[tilespmem:$0x18000] =	vst v63  }
0xfa: {  	s1 =	rddreg [dreg:$0xb]  }
0xfb: {  	[hbm4b:s1+s2] =	stream.linear.scatter [tilespmem:s11], [sflag:$0x3], $0x8000, $0x38;
	[tilespmem:$0x18000] =	vst v63  }
0xfc: {  	s6 =	rddreg [dreg:$0xc]  }
0xfd: {  	[hbm4b:s6+s2] =	stream.linear.scatter [tilespmem:s11], [sflag:$0x3], $0x8000, $0x38;
	[tilespmem:$0x18000] =	vst v63  }
0xfe: {  	_ =	swait.ge [sflag:s12], $0x8000  }
0xff: {  	[sflag:s12] =	ssyncset.done $0x0  }
0x100: {  	s1 =	rddreg [dreg:$0xd];
	[sflag:s12] =	ssyncadd.s32 $0xFFFF8000  }
0x101: {  	[hbm4b:s1+s2] =	stream.linear.scatter [tilespmem:s29], [sflag:$0x4], $0x8000, $0x38;
	[tilespmem:$0x18000] =	vst v63  }
0x102: {  	s6 =	rddreg [dreg:$0xe]  }
0x103: {  	[hbm4b:s6+s2] =	stream.linear.scatter [tilespmem:s29], [sflag:$0x4], $0x8000, $0x38;
	[tilespmem:$0x18000] =	vst v63  }
0x104: {  	s1 =	rddreg [dreg:$0xf]  }
0x105: {  	[hbm4b:s1+s2] =	stream.linear.scatter [tilespmem:s29], [sflag:$0x4], $0x8000, $0x38;
	[tilespmem:$0x18000] =	vst v63  }
0x106: {  	s6 =	rddreg [dreg:$0x10]  }
0x107: {  	[hbm4b:s6+s2] =	stream.linear.scatter [tilespmem:s29], [sflag:$0x4], $0x8000, $0x38;
	[tilespmem:$0x18000] =	vst v63  }
0x108: {  	_ =	swait.ge [sflag:s4], $0x8000  }
0x109: {  	[sflag:s4] =	ssyncset.done $0x0  }
0x10a: {  	[sflag:s4] =	ssyncadd.s32 $0xFFFF8000  }
0x10b: {  	_ =	swait.ge [sflag:s4], $0x8000  }
0x10c: {  	[sflag:s4] =	ssyncset.done $0x0  }
0x10d: {  	[sflag:s4] =	ssyncadd.s32 $0xFFFF8000  }
0x10e: {  	_ =	swait.ge [sflag:s4], $0x8000  }
0x10f: {  	[sflag:s4] =	ssyncset.done $0x0  }
0x110: {  	[sflag:s4] =	ssyncadd.s32 $0xFFFF8000  }
0x111: {  	_ =	swait.ge [sflag:s4], $0x8000  }
0x112: {  	[sflag:s4] =	ssyncset.done $0x0  }
0x113: {  	s6 =	rddreg [dreg:$0x11];
	[sflag:s4] =	ssyncadd.s32 $0xFFFF8000  }
0x114: {  	[tilespmem:s2], [sflag:$0x1] =	stream.linear.gather [hbm4b:s6+s2], $0x8000, $0x38;
	[tilespmem:$0x18000] =	vst v63  }
0x115: {  	_ =	swait.ge [sflag:s12], $0x8000  }
0x116: {  	[sflag:s12] =	ssyncset.done $0x0  }
0x117: {  	s1 =	rddreg [dreg:$0x12];
	[sflag:s12] =	ssyncadd.s32 $0xFFFF8000  }
0x118: {  	[hbm4b:s1+s2] =	stream.linear.scatter [tilespmem:s2], [sflag:$0x2], $0x8000, $0x38;
	[tilespmem:$0x18000] =	vst v63  }
0x119: {  	s6 =	rddreg [dreg:$0x13]  }
0x11a: {  	[hbm4b:s6+s2] =	stream.linear.scatter [tilespmem:s2], [sflag:$0x2], $0x8000, $0x38;
	[tilespmem:$0x18000] =	vst v63  }
0x11b: {  	s1 =	rddreg [dreg:$0x14]  }
0x11c: {  	[hbm4b:s1+s2] =	stream.linear.scatter [tilespmem:s2], [sflag:$0x2], $0x8000, $0x38;
	[tilespmem:$0x18000] =	vst v63  }
0x11d: {  	_ = 	snop  }
0x11e: {  	[hbm4b:s31+s2] =	stream.linear.scatter [tilespmem:s2], [sflag:$0x2], $0x8000, $0x38;
	[tilespmem:$0x18000] =	vst v63  }
0x11f: {  	_ =	swait.ge [sflag:s3], $0x8000  }
0x120: {  	[sflag:s3] =	ssyncset.done $0x0  }
0x121: {  	s6 =	smov.u32 s7;
	s7 =	smov.u32 s8;
	[sflag:s3] =	ssyncadd.s32 $0xFFFF8000  }
0x122: {  	s8 =	smov.u32 s9;
	s9 =	smov.u32 s10;
	_ =	swait.ge [sflag:s3], $0x8000  }
0x123: {  	s10 =	smov.u32 s13;
	s13 =	smov.u32 s14;
	[sflag:s3] =	ssyncset.done $0x0  }
0x124: {  	s14 =	smov.u32 s15;
	s15 =	smov.u32 s16;
	[sflag:s3] =	ssyncadd.s32 $0xFFFF8000  }
0x125: {  	s16 =	smov.u32 s17;
	s17 =	smov.u32 s18;
	_ =	swait.ge [sflag:s3], $0x8000  }
0x126: {  	s18 =	smov.u32 s19;
	s19 =	smov.u32 s20;
	[sflag:s3] =	ssyncset.done $0x0  }
0x127: {  	s20 =	smov.u32 s21;
	s21 =	smov.u32 s22;
	[sflag:s3] =	ssyncadd.s32 $0xFFFF8000  }
0x128: {  	s22 =	smov.u32 s23;
	s23 =	smov.u32 s24;
	_ =	swait.ge [sflag:s3], $0x8000  }
0x129: {  	s24 =	smov.u32 s25;
	s25 =	smov.u32 s26;
	[sflag:s3] =	ssyncset.done $0x0  }
0x12a: {  	s26 =	smov.u32 s28;
	s28 =	smov.u32 s30;
	[sflag:s3] =	ssyncadd.s32 $0xFFFF8000  }
0x12b: {  	[tilespmem:s11], [sflag:$0x1] =	stream.linear.gather [hbm4b:s28+s2], $0x8000, $0x38;
	[tilespmem:$0x18000] =	vst v63  }
0x12c: {  	_ =	swait.ge [sflag:s12], $0x8000  }
0x12d: {  	[sflag:s12] =	ssyncset.done $0x0  }
0x12e: {  	[sflag:s12] =	ssyncadd.s32 $0xFFFF8000  }
0x12f: {  	[hbm4b:s23+s2] =	stream.linear.scatter [tilespmem:s11], [sflag:$0x3], $0x8000, $0x38;
	[tilespmem:$0x18000] =	vst v63  }
0x130: {  	_ = 	snop  }
0x131: {  	[hbm4b:s24+s2] =	stream.linear.scatter [tilespmem:s11], [sflag:$0x3], $0x8000, $0x38;
	[tilespmem:$0x18000] =	vst v63  }
0x132: {  	_ = 	snop  }
0x133: {  	[hbm4b:s25+s2] =	stream.linear.scatter [tilespmem:s11], [sflag:$0x3], $0x8000, $0x38;
	[tilespmem:$0x18000] =	vst v63  }
0x134: {  	_ = 	snop  }
0x135: {  	[hbm4b:s26+s2] =	stream.linear.scatter [tilespmem:s11], [sflag:$0x3], $0x8000, $0x38;
	[tilespmem:$0x18000] =	vst v63  }
0x136: {  	_ =	swait.ge [sflag:s5], $0x8000  }
0x137: {  	[sflag:s5] =	ssyncset.done $0x0  }
0x138: {  	[sflag:s5] =	ssyncadd.s32 $0xFFFF8000  }
0x139: {  	_ =	swait.ge [sflag:s5], $0x8000  }
0x13a: {  	[sflag:s5] =	ssyncset.done $0x0  }
0x13b: {  	[sflag:s5] =	ssyncadd.s32 $0xFFFF8000  }
0x13c: {  	_ =	swait.ge [sflag:s5], $0x8000  }
0x13d: {  	[sflag:s5] =	ssyncset.done $0x0  }
0x13e: {  	[sflag:s5] =	ssyncadd.s32 $0xFFFF8000  }
0x13f: {  	_ =	swait.ge [sflag:s5], $0x8000  }
0x140: {  	[sflag:s5] =	ssyncset.done $0x0  }
0x141: {  	[sflag:s5] =	ssyncadd.s32 $0xFFFF8000  }
0x142: {  	[tilespmem:s29], [sflag:$0x1] =	stream.linear.gather [hbm4b:s22+s2], $0x8000, $0x38;
	[tilespmem:$0x18000] =	vst v63  }
0x143: {  	_ =	swait.ge [sflag:s12], $0x8000  }
0x144: {  	[sflag:s12] =	ssyncset.done $0x0  }
0x145: {  	[sflag:s12] =	ssyncadd.s32 $0xFFFF8000  }
0x146: {  	[hbm4b:s18+s2] =	stream.linear.scatter [tilespmem:s29], [sflag:$0x4], $0x8000, $0x38;
	[tilespmem:$0x18000] =	vst v63  }
0x147: {  	_ = 	snop  }
0x148: {  	[hbm4b:s19+s2] =	stream.linear.scatter [tilespmem:s29], [sflag:$0x4], $0x8000, $0x38;
	[tilespmem:$0x18000] =	vst v63  }
0x149: {  	_ = 	snop  }
0x14a: {  	[hbm4b:s20+s2] =	stream.linear.scatter [tilespmem:s29], [sflag:$0x4], $0x8000, $0x38;
	[tilespmem:$0x18000] =	vst v63  }
0x14b: {  	_ = 	snop  }
0x14c: {  	[hbm4b:s21+s2] =	stream.linear.scatter [tilespmem:s29], [sflag:$0x4], $0x8000, $0x38;
	[tilespmem:$0x18000] =	vst v63  }
0x14d: {  	_ =	swait.ge [sflag:s4], $0x8000  }
0x14e: {  	[sflag:s4] =	ssyncset.done $0x0  }
0x14f: {  	[sflag:s4] =	ssyncadd.s32 $0xFFFF8000  }
0x150: {  	_ =	swait.ge [sflag:s4], $0x8000  }
0x151: {  	[sflag:s4] =	ssyncset.done $0x0  }
0x152: {  	[sflag:s4] =	ssyncadd.s32 $0xFFFF8000  }
0x153: {  	_ =	swait.ge [sflag:s4], $0x8000  }
0x154: {  	[sflag:s4] =	ssyncset.done $0x0  }
0x155: {  	[sflag:s4] =	ssyncadd.s32 $0xFFFF8000  }
0x156: {  	_ =	swait.ge [sflag:s4], $0x8000  }
0x157: {  	[sflag:s4] =	ssyncset.done $0x0  }
0x158: {  	[sflag:s4] =	ssyncadd.s32 $0xFFFF8000  }
0x159: {  	[tilespmem:s2], [sflag:$0x1] =	stream.linear.gather [hbm4b:s17+s2], $0x8000, $0x38;
	[tilespmem:$0x18000] =	vst v63  }
0x15a: {  	_ =	swait.ge [sflag:s12], $0x8000  }
0x15b: {  	[sflag:s12] =	ssyncset.done $0x0  }
0x15c: {  	[sflag:s12] =	ssyncadd.s32 $0xFFFF8000  }
0x15d: {  	[hbm4b:s13+s2] =	stream.linear.scatter [tilespmem:s2], [sflag:$0x2], $0x8000, $0x38;
	[tilespmem:$0x18000] =	vst v63  }
0x15e: {  	_ = 	snop  }
0x15f: {  	[hbm4b:s14+s2] =	stream.linear.scatter [tilespmem:s2], [sflag:$0x2], $0x8000, $0x38;
	[tilespmem:$0x18000] =	vst v63  }
0x160: {  	_ = 	snop  }
0x161: {  	[hbm4b:s15+s2] =	stream.linear.scatter [tilespmem:s2], [sflag:$0x2], $0x8000, $0x38;
	[tilespmem:$0x18000] =	vst v63  }
0x162: {  	_ = 	snop  }
0x163: {  	[hbm4b:s16+s2] =	stream.linear.scatter [tilespmem:s2], [sflag:$0x2], $0x8000, $0x38;
	[tilespmem:$0x18000] =	vst v63  }
0x164: {  	_ =	swait.ge [sflag:s3], $0x8000  }
0x165: {  	[sflag:s3] =	ssyncset.done $0x0  }
0x166: {  	[sflag:s3] =	ssyncadd.s32 $0xFFFF8000  }
0x167: {  	_ =	swait.ge [sflag:s3], $0x8000  }
0x168: {  	[sflag:s3] =	ssyncset.done $0x0  }
0x169: {  	[sflag:s3] =	ssyncadd.s32 $0xFFFF8000  }
0x16a: {  	_ =	swait.ge [sflag:s3], $0x8000  }
0x16b: {  	[sflag:s3] =	ssyncset.done $0x0  }
0x16c: {  	[sflag:s3] =	ssyncadd.s32 $0xFFFF8000  }
0x16d: {  	_ =	swait.ge [sflag:s3], $0x8000  }
0x16e: {  	[sflag:s3] =	ssyncset.done $0x0  }
0x16f: {  	[sflag:s3] =	ssyncadd.s32 $0xFFFF8000  }
0x170: {  	[tilespmem:s11], [sflag:$0x1] =	stream.linear.gather [hbm4b:s10+s2], $0x8000, $0x38;
	[tilespmem:$0x18000] =	vst v63  }
0x171: {  	_ =	swait.ge [sflag:s12], $0x8000  }
0x172: {  	[sflag:s12] =	ssyncset.done $0x0  }
0x173: {  	[sflag:s12] =	ssyncadd.s32 $0xFFFF8000  }
0x174: {  	[hbm4b:s6+s2] =	stream.linear.scatter [tilespmem:s11], [sflag:$0x3], $0x8000, $0x38;
	[tilespmem:$0x18000] =	vst v63  }
0x175: {  	_ = 	snop  }
0x176: {  	[hbm4b:s7+s2] =	stream.linear.scatter [tilespmem:s11], [sflag:$0x3], $0x8000, $0x38;
	[tilespmem:$0x18000] =	vst v63  }
0x177: {  	_ = 	snop  }
0x178: {  	[hbm4b:s8+s2] =	stream.linear.scatter [tilespmem:s11], [sflag:$0x3], $0x8000, $0x38;
	[tilespmem:$0x18000] =	vst v63  }
0x179: {  	_ = 	snop  }
0x17a: {  	[hbm4b:s9+s2] =	stream.linear.scatter [tilespmem:s11], [sflag:$0x3], $0x8000, $0x38;
	[tilespmem:$0x18000] =	vst v63  }
0x17b: {  	_ =	swait.ge [sflag:s5], $0x8000  }
0x17c: {  	[sflag:s5] =	ssyncset.done $0x0  }
0x17d: {  	[sflag:s5] =	ssyncadd.s32 $0xFFFF8000  }
0x17e: {  	_ =	swait.ge [sflag:s5], $0x8000  }
0x17f: {  	[sflag:s5] =	ssyncset.done $0x0  }
0x180: {  	[sflag:s5] =	ssyncadd.s32 $0xFFFF8000  }
0x181: {  	_ =	swait.ge [sflag:s5], $0x8000  }
0x182: {  	[sflag:s5] =	ssyncset.done $0x0  }
0x183: {  	[sflag:s5] =	ssyncadd.s32 $0xFFFF8000  }
0x184: {  	_ =	swait.ge [sflag:s5], $0x8000  }
0x185: {  	[sflag:s5] =	ssyncset.done $0x0  }
0x186: {  	[sflag:s5] =	ssyncadd.s32 $0xFFFF8000  }
0x187: {  	_ =	swait.ge [sflag:s4], $0x8000  }
0x188: {  	[sflag:s4] =	ssyncset.done $0x0  }
0x189: {  	[sflag:s4] =	ssyncadd.s32 $0xFFFF8000  }
0x18a: {  	_ =	swait.ge [sflag:s4], $0x8000  }
0x18b: {  	[sflag:s4] =	ssyncset.done $0x0  }
0x18c: {  	[sflag:s4] =	ssyncadd.s32 $0xFFFF8000  }
0x18d: {  	_ =	swait.ge [sflag:s4], $0x8000  }
0x18e: {  	[sflag:s4] =	ssyncset.done $0x0  }
0x18f: {  	[sflag:s4] =	ssyncadd.s32 $0xFFFF8000  }
0x190: {  	_ =	swait.ge [sflag:s4], $0x8000  }
0x191: {  	[sflag:s4] =	ssyncset.done $0x0  }
0x192: {  	[sflag:s4] =	ssyncadd.s32 $0xFFFF8000  }
0x193: {  	_ =	swait.ge [sflag:s3], $0x8000  }
0x194: {  	[sflag:s3] =	ssyncset.done $0x0  }
0x195: {  	[sflag:s3] =	ssyncadd.s32 $0xFFFF8000  }
0x196: {  	_ =	swait.ge [sflag:s3], $0x8000  }
0x197: {  	[sflag:s3] =	ssyncset.done $0x0  }
0x198: {  	p1 =	sne.s32 s0, $0x1;
	[sflag:s3] =	ssyncadd.s32 $0xFFFF8000  }
.Ltmp2:
0x199: {  	_ =	swait.ge [sflag:s3], $0x8000;
	(pc) =	sbr.rel @p1 .LBB2_3-.Ltmp2, $4  }
0x19a: {  	[sflag:s3] =	ssyncset.done $0x0  }
0x19b: {  	[sflag:s3] =	ssyncadd.s32 $0xFFFF8000  }
0x19c: {  	s0 =	sadd.s32 $0xFFFFFFFF, s0;
	_ =	swait.ge [sflag:s3], $0x8000  }
0x19d: {  	s30 =	smov.u32 s31;
	s1 =	rddreg [dreg:$0x3];
	[sflag:s3] =	ssyncset.done $0x0  }
0x19e: {  	s31 =	rddreg [dreg:$0x15]  }
.LBB2_5:
0x19f: {  	[sflag:s3] =	ssyncadd.s32 @p0 $0xFFFF8000  }
0x1a0: {  	[tilespmem:s2], [sflag:$0x1] =	stream.linear.gather [hbm4b:s1+s2], $0x8000, $0x38;
	[tilespmem:$0x18000] =	vst v63  }
0x1a1: {  	s0 =	rddreg [dreg:$0x4]  }
0x1a2: {  	[tilespmem:s11], [sflag:$0x1] =	stream.linear.gather [hbm4b:s0+s2], $0x8000, $0x38;
	[tilespmem:$0x18000] =	vst v63  }
0x1a3: {  	s1 =	rddreg [dreg:$0x5]  }
0x1a4: {  	[tilespmem:s29], [sflag:$0x1] =	stream.linear.gather [hbm4b:s1+s2], $0x8000, $0x38;
	[tilespmem:$0x18000] =	vst v63  }
0x1a5: {  	_ =	swait.ge [sflag:s12], $0x8000  }
0x1a6: {  	[sflag:s12] =	ssyncset.done $0x0  }
0x1a7: {  	[sflag:s12] =	ssyncadd.s32 $0xFFFF8000  }
0x1a8: {  	[hbm4b:s31+s2] =	stream.linear.scatter [tilespmem:s2], [sflag:$0x2], $0x8000, $0x38;
	[tilespmem:$0x18000] =	vst v63  }
0x1a9: {  	s0 =	rddreg [dreg:$0x6]  }
0x1aa: {  	[hbm4b:s0+s2] =	stream.linear.scatter [tilespmem:s2], [sflag:$0x2], $0x8000, $0x38;
	[tilespmem:$0x18000] =	vst v63  }
0x1ab: {  	s1 =	rddreg [dreg:$0x7]  }
0x1ac: {  	[hbm4b:s1+s2] =	stream.linear.scatter [tilespmem:s2], [sflag:$0x2], $0x8000, $0x38;
	[tilespmem:$0x18000] =	vst v63  }
0x1ad: {  	s31 =	rddreg [dreg:$0x8]  }
0x1ae: {  	[hbm4b:s31+s2] =	stream.linear.scatter [tilespmem:s2], [sflag:$0x2], $0x8000, $0x38;
	[tilespmem:$0x18000] =	vst v63  }
0x1af: {  	_ =	swait.ge [sflag:s12], $0x8000  }
0x1b0: {  	[sflag:s12] =	ssyncset.done $0x0  }
0x1b1: {  	s1 =	rddreg [dreg:$0x9];
	[sflag:s12] =	ssyncadd.s32 $0xFFFF8000  }
0x1b2: {  	[hbm4b:s1+s2] =	stream.linear.scatter [tilespmem:s11], [sflag:$0x3], $0x8000, $0x38;
	[tilespmem:$0x18000] =	vst v63  }
0x1b3: {  	s31 =	rddreg [dreg:$0xa]  }
0x1b4: {  	[hbm4b:s31+s2] =	stream.linear.scatter [tilespmem:s11], [sflag:$0x3], $0x8000, $0x38;
	[tilespmem:$0x18000] =	vst v63  }
0x1b5: {  	s0 =	rddreg [dreg:$0xb]  }
0x1b6: {  	[hbm4b:s0+s2] =	stream.linear.scatter [tilespmem:s11], [sflag:$0x3], $0x8000, $0x38;
	[tilespmem:$0x18000] =	vst v63  }
0x1b7: {  	s31 =	rddreg [dreg:$0xc]  }
0x1b8: {  	[hbm4b:s31+s2] =	stream.linear.scatter [tilespmem:s11], [sflag:$0x3], $0x8000, $0x38;
	[tilespmem:$0x18000] =	vst v63  }
0x1b9: {  	_ =	swait.ge [sflag:s12], $0x8000  }
0x1ba: {  	[sflag:s12] =	ssyncset.done $0x0  }
0x1bb: {  	s1 =	rddreg [dreg:$0xd];
	[sflag:s12] =	ssyncadd.s32 $0xFFFF8000  }
0x1bc: {  	[hbm4b:s1+s2] =	stream.linear.scatter [tilespmem:s29], [sflag:$0x4], $0x8000, $0x38;
	[tilespmem:$0x18000] =	vst v63  }
0x1bd: {  	s31 =	rddreg [dreg:$0xe]  }
0x1be: {  	[hbm4b:s31+s2] =	stream.linear.scatter [tilespmem:s29], [sflag:$0x4], $0x8000, $0x38;
	[tilespmem:$0x18000] =	vst v63  }
0x1bf: {  	s0 =	rddreg [dreg:$0xf]  }
0x1c0: {  	[hbm4b:s0+s2] =	stream.linear.scatter [tilespmem:s29], [sflag:$0x4], $0x8000, $0x38;
	[tilespmem:$0x18000] =	vst v63  }
0x1c1: {  	s31 =	rddreg [dreg:$0x10]  }
0x1c2: {  	[hbm4b:s31+s2] =	stream.linear.scatter [tilespmem:s29], [sflag:$0x4], $0x8000, $0x38;
	[tilespmem:$0x18000] =	vst v63  }
0x1c3: {  	_ =	swait.ge [sflag:s4], $0x8000  }
0x1c4: {  	[sflag:s4] =	ssyncset.done $0x0  }
0x1c5: {  	[sflag:s4] =	ssyncadd.s32 $0xFFFF8000  }
0x1c6: {  	_ =	swait.ge [sflag:s4], $0x8000  }
0x1c7: {  	[sflag:s4] =	ssyncset.done $0x0  }
0x1c8: {  	[sflag:s4] =	ssyncadd.s32 $0xFFFF8000  }
0x1c9: {  	_ =	swait.ge [sflag:s4], $0x8000  }
0x1ca: {  	[sflag:s4] =	ssyncset.done $0x0  }
0x1cb: {  	[sflag:s4] =	ssyncadd.s32 $0xFFFF8000  }
0x1cc: {  	_ =	swait.ge [sflag:s4], $0x8000  }
0x1cd: {  	[sflag:s4] =	ssyncset.done $0x0  }
0x1ce: {  	s1 =	rddreg [dreg:$0x11];
	[sflag:s4] =	ssyncadd.s32 $0xFFFF8000  }
0x1cf: {  	[tilespmem:s2], [sflag:$0x1] =	stream.linear.gather [hbm4b:s1+s2], $0x8000, $0x38;
	[tilespmem:$0x18000] =	vst v63  }
0x1d0: {  	_ =	swait.ge [sflag:s12], $0x8000  }
0x1d1: {  	[sflag:s12] =	ssyncset.done $0x0  }
0x1d2: {  	s31 =	rddreg [dreg:$0x12];
	[sflag:s12] =	ssyncadd.s32 $0xFFFF8000  }
0x1d3: {  	[hbm4b:s31+s2] =	stream.linear.scatter [tilespmem:s2], [sflag:$0x2], $0x8000, $0x38;
	[tilespmem:$0x18000] =	vst v63  }
0x1d4: {  	s1 =	rddreg [dreg:$0x13]  }
0x1d5: {  	[hbm4b:s1+s2] =	stream.linear.scatter [tilespmem:s2], [sflag:$0x2], $0x8000, $0x38;
	[tilespmem:$0x18000] =	vst v63  }
0x1d6: {  	s31 =	rddreg [dreg:$0x14]  }
0x1d7: {  	[hbm4b:s31+s2] =	stream.linear.scatter [tilespmem:s2], [sflag:$0x2], $0x8000, $0x38;
	[tilespmem:$0x18000] =	vst v63  }
0x1d8: {  	_ = 	snop  }
0x1d9: {  	[hbm4b:s30+s2] =	stream.linear.scatter [tilespmem:s2], [sflag:$0x2], $0x8000, $0x38;
	[tilespmem:$0x18000] =	vst v63  }
0x1da: {  	_ =	swait.ge [sflag:s3], $0x8000  }
0x1db: {  	[sflag:s3] =	ssyncset.done $0x0  }
0x1dc: {  	[sflag:s3] =	ssyncadd.s32 $0xFFFF8000  }
0x1dd: {  	_ =	swait.ge [sflag:s3], $0x8000  }
0x1de: {  	[sflag:s3] =	ssyncset.done $0x0  }
0x1df: {  	[sflag:s3] =	ssyncadd.s32 $0xFFFF8000  }
0x1e0: {  	_ =	swait.ge [sflag:s3], $0x8000  }
0x1e1: {  	[sflag:s3] =	ssyncset.done $0x0  }
0x1e2: {  	[sflag:s3] =	ssyncadd.s32 $0xFFFF8000  }
0x1e3: {  	_ =	swait.ge [sflag:s3], $0x8000  }
0x1e4: {  	[sflag:s3] =	ssyncset.done $0x0  }
0x1e5: {  	[sflag:s3] =	ssyncadd.s32 $0xFFFF8000  }
0x1e6: {  	[tilespmem:s11], [sflag:$0x1] =	stream.linear.gather [hbm4b:s28+s2], $0x8000, $0x38;
	[tilespmem:$0x18000] =	vst v63  }
0x1e7: {  	_ =	swait.ge [sflag:s12], $0x8000  }
0x1e8: {  	[sflag:s12] =	ssyncset.done $0x0  }
0x1e9: {  	[sflag:s12] =	ssyncadd.s32 $0xFFFF8000  }
0x1ea: {  	[hbm4b:s23+s2] =	stream.linear.scatter [tilespmem:s11], [sflag:$0x3], $0x8000, $0x38;
	[tilespmem:$0x18000] =	vst v63  }
0x1eb: {  	_ = 	snop  }
0x1ec: {  	[hbm4b:s24+s2] =	stream.linear.scatter [tilespmem:s11], [sflag:$0x3], $0x8000, $0x38;
	[tilespmem:$0x18000] =	vst v63  }
0x1ed: {  	_ = 	snop  }
0x1ee: {  	[hbm4b:s25+s2] =	stream.linear.scatter [tilespmem:s11], [sflag:$0x3], $0x8000, $0x38;
	[tilespmem:$0x18000] =	vst v63  }
0x1ef: {  	_ = 	snop  }
0x1f0: {  	[hbm4b:s26+s2] =	stream.linear.scatter [tilespmem:s11], [sflag:$0x3], $0x8000, $0x38;
	[tilespmem:$0x18000] =	vst v63  }
0x1f1: {  	_ =	swait.ge [sflag:s5], $0x8000  }
0x1f2: {  	[sflag:s5] =	ssyncset.done $0x0  }
0x1f3: {  	[sflag:s5] =	ssyncadd.s32 $0xFFFF8000  }
0x1f4: {  	_ =	swait.ge [sflag:s5], $0x8000  }
0x1f5: {  	[sflag:s5] =	ssyncset.done $0x0  }
0x1f6: {  	[sflag:s5] =	ssyncadd.s32 $0xFFFF8000  }
0x1f7: {  	_ =	swait.ge [sflag:s5], $0x8000  }
0x1f8: {  	[sflag:s5] =	ssyncset.done $0x0  }
0x1f9: {  	[sflag:s5] =	ssyncadd.s32 $0xFFFF8000  }
0x1fa: {  	_ =	swait.ge [sflag:s5], $0x8000  }
0x1fb: {  	[sflag:s5] =	ssyncset.done $0x0  }
0x1fc: {  	[sflag:s5] =	ssyncadd.s32 $0xFFFF8000  }
0x1fd: {  	[tilespmem:s29], [sflag:$0x1] =	stream.linear.gather [hbm4b:s22+s2], $0x8000, $0x38;
	[tilespmem:$0x18000] =	vst v63  }
0x1fe: {  	_ =	swait.ge [sflag:s12], $0x8000  }
0x1ff: {  	[sflag:s12] =	ssyncset.done $0x0  }
0x200: {  	[sflag:s12] =	ssyncadd.s32 $0xFFFF8000  }
0x201: {  	[hbm4b:s18+s2] =	stream.linear.scatter [tilespmem:s29], [sflag:$0x4], $0x8000, $0x38;
	[tilespmem:$0x18000] =	vst v63  }
0x202: {  	_ = 	snop  }
0x203: {  	[hbm4b:s19+s2] =	stream.linear.scatter [tilespmem:s29], [sflag:$0x4], $0x8000, $0x38;
	[tilespmem:$0x18000] =	vst v63  }
0x204: {  	_ = 	snop  }
0x205: {  	[hbm4b:s20+s2] =	stream.linear.scatter [tilespmem:s29], [sflag:$0x4], $0x8000, $0x38;
	[tilespmem:$0x18000] =	vst v63  }
0x206: {  	_ = 	snop  }
0x207: {  	[hbm4b:s21+s2] =	stream.linear.scatter [tilespmem:s29], [sflag:$0x4], $0x8000, $0x38;
	[tilespmem:$0x18000] =	vst v63  }
0x208: {  	_ =	swait.ge [sflag:s4], $0x8000  }
0x209: {  	[sflag:s4] =	ssyncset.done $0x0  }
0x20a: {  	[sflag:s4] =	ssyncadd.s32 $0xFFFF8000  }
0x20b: {  	_ =	swait.ge [sflag:s4], $0x8000  }
0x20c: {  	[sflag:s4] =	ssyncset.done $0x0  }
0x20d: {  	[sflag:s4] =	ssyncadd.s32 $0xFFFF8000  }
0x20e: {  	_ =	swait.ge [sflag:s4], $0x8000  }
0x20f: {  	[sflag:s4] =	ssyncset.done $0x0  }
0x210: {  	[sflag:s4] =	ssyncadd.s32 $0xFFFF8000  }
0x211: {  	_ =	swait.ge [sflag:s4], $0x8000  }
0x212: {  	[sflag:s4] =	ssyncset.done $0x0  }
0x213: {  	[sflag:s4] =	ssyncadd.s32 $0xFFFF8000  }
0x214: {  	[tilespmem:s2], [sflag:$0x1] =	stream.linear.gather [hbm4b:s17+s2], $0x8000, $0x38;
	[tilespmem:$0x18000] =	vst v63  }
0x215: {  	_ =	swait.ge [sflag:s12], $0x8000  }
0x216: {  	[sflag:s12] =	ssyncset.done $0x0  }
0x217: {  	[sflag:s12] =	ssyncadd.s32 $0xFFFF8000  }
0x218: {  	[hbm4b:s13+s2] =	stream.linear.scatter [tilespmem:s2], [sflag:$0x2], $0x8000, $0x38;
	[tilespmem:$0x18000] =	vst v63  }
0x219: {  	_ = 	snop  }
0x21a: {  	[hbm4b:s14+s2] =	stream.linear.scatter [tilespmem:s2], [sflag:$0x2], $0x8000, $0x38;
	[tilespmem:$0x18000] =	vst v63  }
0x21b: {  	_ = 	snop  }
0x21c: {  	[hbm4b:s15+s2] =	stream.linear.scatter [tilespmem:s2], [sflag:$0x2], $0x8000, $0x38;
	[tilespmem:$0x18000] =	vst v63  }
0x21d: {  	_ = 	snop  }
0x21e: {  	[hbm4b:s16+s2] =	stream.linear.scatter [tilespmem:s2], [sflag:$0x2], $0x8000, $0x38;
	[tilespmem:$0x18000] =	vst v63  }
0x21f: {  	_ =	swait.ge [sflag:s3], $0x8000  }
0x220: {  	[sflag:s3] =	ssyncset.done $0x0  }
0x221: {  	[sflag:s3] =	ssyncadd.s32 $0xFFFF8000  }
0x222: {  	_ =	swait.ge [sflag:s3], $0x8000  }
0x223: {  	[sflag:s3] =	ssyncset.done $0x0  }
0x224: {  	[sflag:s3] =	ssyncadd.s32 $0xFFFF8000  }
0x225: {  	_ =	swait.ge [sflag:s3], $0x8000  }
0x226: {  	[sflag:s3] =	ssyncset.done $0x0  }
0x227: {  	[sflag:s3] =	ssyncadd.s32 $0xFFFF8000  }
0x228: {  	_ =	swait.ge [sflag:s3], $0x8000  }
0x229: {  	[sflag:s3] =	ssyncset.done $0x0  }
0x22a: {  	[sflag:s3] =	ssyncadd.s32 $0xFFFF8000  }
0x22b: {  	[tilespmem:s11], [sflag:$0x1] =	stream.linear.gather [hbm4b:s10+s2], $0x8000, $0x38;
	[tilespmem:$0x18000] =	vst v63  }
0x22c: {  	_ =	swait.ge [sflag:s12], $0x8000  }
0x22d: {  	[sflag:s12] =	ssyncset.done $0x0  }
0x22e: {  	[sflag:s12] =	ssyncadd.s32 $0xFFFF8000  }
0x22f: {  	[hbm4b:s6+s2] =	stream.linear.scatter [tilespmem:s11], [sflag:$0x3], $0x8000, $0x38;
	[tilespmem:$0x18000] =	vst v63  }
0x230: {  	_ = 	snop  }
0x231: {  	[hbm4b:s7+s2] =	stream.linear.scatter [tilespmem:s11], [sflag:$0x3], $0x8000, $0x38;
	[tilespmem:$0x18000] =	vst v63  }
0x232: {  	_ = 	snop  }
0x233: {  	[hbm4b:s8+s2] =	stream.linear.scatter [tilespmem:s11], [sflag:$0x3], $0x8000, $0x38;
	[tilespmem:$0x18000] =	vst v63  }
0x234: {  	_ = 	snop  }
0x235: {  	[hbm4b:s9+s2] =	stream.linear.scatter [tilespmem:s11], [sflag:$0x3], $0x8000, $0x38;
	[tilespmem:$0x18000] =	vst v63  }
0x236: {  	_ =	swait.ge [sflag:s5], $0x8000  }
0x237: {  	[sflag:s5] =	ssyncset.done $0x0  }
0x238: {  	[sflag:s5] =	ssyncadd.s32 $0xFFFF8000  }
0x239: {  	_ =	swait.ge [sflag:s5], $0x8000  }
0x23a: {  	[sflag:s5] =	ssyncset.done $0x0  }
0x23b: {  	[sflag:s5] =	ssyncadd.s32 $0xFFFF8000  }
0x23c: {  	_ =	swait.ge [sflag:s5], $0x8000  }
0x23d: {  	[sflag:s5] =	ssyncset.done $0x0  }
0x23e: {  	[sflag:s5] =	ssyncadd.s32 $0xFFFF8000  }
0x23f: {  	_ =	swait.ge [sflag:s5], $0x8000  }
0x240: {  	[sflag:s5] =	ssyncset.done $0x0  }
0x241: {  	[sflag:s5] =	ssyncadd.s32 $0xFFFF8000  }
0x242: {  	_ =	swait.ge [sflag:s4], $0x8000  }
0x243: {  	[sflag:s4] =	ssyncset.done $0x0  }
0x244: {  	[sflag:s4] =	ssyncadd.s32 $0xFFFF8000  }
0x245: {  	_ =	swait.ge [sflag:s4], $0x8000  }
0x246: {  	[sflag:s4] =	ssyncset.done $0x0  }
0x247: {  	[sflag:s4] =	ssyncadd.s32 $0xFFFF8000  }
0x248: {  	_ =	swait.ge [sflag:s4], $0x8000  }
0x249: {  	[sflag:s4] =	ssyncset.done $0x0  }
0x24a: {  	[sflag:s4] =	ssyncadd.s32 $0xFFFF8000  }
0x24b: {  	_ =	swait.ge [sflag:s4], $0x8000  }
0x24c: {  	[sflag:s4] =	ssyncset.done $0x0  }
0x24d: {  	[sflag:s4] =	ssyncadd.s32 $0xFFFF8000  }
0x24e: {  	_ =	swait.ge [sflag:s3], $0x8000  }
0x24f: {  	[sflag:s3] =	ssyncset.done $0x0  }
0x250: {  	[sflag:s3] =	ssyncadd.s32 $0xFFFF8000  }
0x251: {  	_ =	swait.ge [sflag:s3], $0x8000  }
0x252: {  	[sflag:s3] =	ssyncset.done $0x0  }
0x253: {  	[sflag:s3] =	ssyncadd.s32 $0xFFFF8000  }
0x254: {  	_ =	swait.ge [sflag:s3], $0x8000  }
0x255: {  	[sflag:s3] =	ssyncset.done $0x0  }
0x256: {  	[sflag:s3] =	ssyncadd.s32 $0xFFFF8000  }
0x257: {  	_ =	swait.ge [sflag:s3], $0x8000  }
0x258: {  	[sflag:s3] =	ssyncset.done $0x0  }
0x259: {  	[sflag:s3] =	ssyncadd.s32 $0xFFFF8000  }
0x25a: {  	_ =	sfence.sel $0x180000  }
0x25b: {  	[bflag:$0x0] =	sbarrier.arrive $0xFFFF  }
0x25c: {  	_ =	strace $0x90000047  }
0x25d: {  	s31 =	stileid.u32;
	[bflag:$0x2] =	sbarrier.arrive $0xFFFF  }
0x25e: {  	p0 =	sne.s32 s31, $0x0;
	s0 =	rddreg [dreg:$0x2]  }
0x25f: {  	s0 =	sadd.s32 @!p0 $0x100000, s0  }
0x260: {  	[sflag:s0] =	ssyncadd.tile.s32 @!p0 $0x1;
	_ =	shalt  }
.LBB2_2:
.Ltmp3:
0x261: {  	(pc) =	sbr.rel .LBB2_5-.Ltmp3, $2  }
0x262: {  	_ =	sdelay $0x2  }
0x263: {  	s31 =	rddreg [dreg:$0x15]  }
.Lfunc_end2:
_tile_overlayer_lowered:
.L_overlay_start_2:
0x264: {  	(tag) =	ssettag $0x2  }
0x265: {  	s0 =	rddreg [dreg:$0x0];
	s2 =	stileid.u32  }
0x266: {  	s1 =	rddreg [dreg:$0x1];
	p0 =	sne.s32 s2, $0x0  }
0x267: {  	s3 =	rddreg [dreg:$0x2];
	[bflag:$0x3] =	sbarrier.arrive $0xFFFF;
	s2 =	simm.s32 @!p0 $0x1C05  }
0x268: {  	[timem:s3], [sflag:s2] =	dma.local @!p0 [hbm:s0], s1  }
0x269: {  	s0 =	simm.s32 @!p0 $0x5  }
0x26a: {  	_ =	swait.ge @!p0 [sflag:s0], s1  }
0x26b: {  	s1 =	ssub.s32 @!p0 $0x0, s1;
	[sflag:s0] =	ssyncset.done @!p0 $0x0  }
0x26c: {  	[sflag:s0] =	ssyncadd.s32 @!p0 s1  }
0x26d: {  	[bflag:$0x3] =	sbarrier.arrive $0xFFFF  }
0x26e: {  	_ =	shalt  }

</sc_bundles>
